<compile_context>
chip_gen: v7x
topology: tpu7x:2x2x1
jax: 0.10.2.dev20260603
libtpu: 0.0.44.dev20260713+nightly
codegen_flags: <defaults>
</compile_context>

<pallas_src>
import functools

import jax
import jax.numpy as jnp
from jax import lax
from jax.experimental import pallas as pl
from jax.experimental.pallas import tpu as pltpu
from jax.experimental.pallas import tpu_sc as plsc

N = 10000
E = 320000
NP = 10240
NC = 2
NS = 16
NW = NC * NS
CH = 128
NCHUNK = 80
EPW = NCHUNK * CH
EP = NW * EPW
RPT = NP // NS
CW = 8


def _make_segsum(D, with_cnt):
    mesh = plsc.VectorSubcoreMesh(core_axis_name="c", subcore_axis_name="s")
    out_type = [jax.ShapeDtypeStruct((NC, NP, D), jnp.float32)]
    scratch = [
        pltpu.VMEM((NCHUNK, CH), jnp.int32),
        pltpu.VMEM((NCHUNK, CH), jnp.int32),
        pltpu.VMEM((CH, D), jnp.float32),
        pltpu.VMEM((CH, D), jnp.float32),
        pltpu.VMEM_SHARED((NP, D), jnp.float32),
        pltpu.SemaphoreType.DMA,
        pltpu.SemaphoreType.DMA,
    ]
    if with_cnt:
        out_type.append(jax.ShapeDtypeStruct((NC, NP, CW), jnp.float32))
        scratch += [
            pltpu.VMEM((CH, CW), jnp.float32),
            pltpu.VMEM_SHARED((NP, CW), jnp.float32),
        ]

    def body(*refs):
        if with_cnt:
            (y_hbm, srcs_hbm, dsts_hbm, zrow_hbm, zcnt_hbm, ones_hbm,
             out_hbm, cnt_hbm,
             src_v, dst_v, buf0, buf1, acc, sem0, sem1, ones_v, cacc) = refs
        else:
            (y_hbm, srcs_hbm, dsts_hbm, zrow_hbm,
             out_hbm,
             src_v, dst_v, buf0, buf1, acc, sem0, sem1) = refs

        c = lax.axis_index("c")
        s = lax.axis_index("s")
        wid = s * NC + c

        pltpu.sync_copy(srcs_hbm.at[wid], src_v)
        pltpu.sync_copy(dsts_hbm.at[wid], dst_v)
        pltpu.sync_copy(zrow_hbm, acc.at[pl.ds(s * RPT, RPT)])
        if with_cnt:
            pltpu.sync_copy(zcnt_hbm, cacc.at[pl.ds(s * RPT, RPT)])
            pltpu.sync_copy(ones_hbm, ones_v)
        plsc.subcore_barrier()

        def start(j, buf, sem):
            pltpu.async_copy(y_hbm.at[src_v.at[j]], buf, sem)

        def wait(buf, sem):
            pltpu.make_async_copy(y_hbm.at[src_v.at[0]], buf, sem).wait()

        def scatter(j, buf):
            pltpu.sync_copy(buf, acc.at[dst_v.at[j]], add=True)
            if with_cnt:
                pltpu.sync_copy(ones_v, cacc.at[dst_v.at[j]], add=True)

        start(0, buf0, sem0)
        start(1, buf1, sem1)

        def step(g, carry):
            j0 = 2 * g
            wait(buf0, sem0)
            scatter(j0, buf0)

            @pl.when(j0 + 2 < NCHUNK)
            def _():
                start(j0 + 2, buf0, sem0)

            j1 = j0 + 1
            wait(buf1, sem1)
            scatter(j1, buf1)

            @pl.when(j1 + 2 < NCHUNK)
            def _():
                start(j1 + 2, buf1, sem1)

            return carry

        lax.fori_loop(0, NCHUNK // 2, step, 0)
        plsc.subcore_barrier()

        pltpu.sync_copy(acc.at[pl.ds(s * RPT, RPT)],
                        out_hbm.at[c, pl.ds(s * RPT, RPT)])
        if with_cnt:
            pltpu.sync_copy(cacc.at[pl.ds(s * RPT, RPT)],
                            cnt_hbm.at[c, pl.ds(s * RPT, RPT)])

    return pl.kernel(body, out_type=out_type, mesh=mesh, scratch_types=scratch,
                     compiler_params=pltpu.CompilerParams(use_tc_tiling_on_sc=False),
                     name=f"sc_segsum_d{D}")


_segsum_cnt = _make_segsum(64, with_cnt=True)
_segsum_nc = _make_segsum(64, with_cnt=False)


def _dotT(a, w):
    return lax.dot_general(a, w, (((1,), (1,)), ((), ())),
                           preferred_element_type=jnp.float32)


RB = 1280


def _combine_body(x_ref, s1a_ref, s1b_ref, cnt_ref, w1l_ref, b1l_ref, w1r_ref,
                  w2l_ref, w2r_ref, zl_ref, zr_ref):
    inv = 1.0 / jnp.maximum(cnt_ref[0, :, :1] + cnt_ref[1, :, :1], 1.0)
    meana = (s1a_ref[0] + s1a_ref[1]) * inv
    meanb = (s1b_ref[0] + s1b_ref[1]) * inv
    w1l = w1l_ref[...]
    h = (_dotT(meana, w1l[:, :64]) + _dotT(meanb, w1l[:, 64:])
         + b1l_ref[...] + _dotT(x_ref[...], w1r_ref[...]))
    h = jnp.maximum(h, 0.0)
    zl_ref[...] = _dotT(h, w2l_ref[...])
    zr_ref[...] = _dotT(h, w2r_ref[...])


_combine = pl.pallas_call(
    _combine_body,
    grid=(NP // RB,),
    in_specs=[
        pl.BlockSpec((RB, 128), lambda i: (i, 0)),
        pl.BlockSpec((2, RB, 64), lambda i: (0, i, 0)),
        pl.BlockSpec((2, RB, 64), lambda i: (0, i, 0)),
        pl.BlockSpec((2, RB, CW), lambda i: (0, i, 0)),
        pl.BlockSpec((128, 128), lambda i: (0, 0)),
        pl.BlockSpec((1, 128), lambda i: (0, 0)),
        pl.BlockSpec((128, 128), lambda i: (0, 0)),
        pl.BlockSpec((64, 128), lambda i: (0, 0)),
        pl.BlockSpec((64, 128), lambda i: (0, 0)),
    ],
    out_specs=[
        pl.BlockSpec((RB, 64), lambda i: (i, 0)),
        pl.BlockSpec((RB, 64), lambda i: (i, 0)),
    ],
    out_shape=[
        jax.ShapeDtypeStruct((NP, 64), jnp.float32),
        jax.ShapeDtypeStruct((NP, 64), jnp.float32),
    ],
)


def _final_body(s2_ref, zr_ref, cnt_ref, b2l_ref, out_ref):
    cnt = cnt_ref[0, :, :1] + cnt_ref[1, :, :1]
    o = (s2_ref[0] + s2_ref[1]) / jnp.maximum(cnt, 1.0) + b2l_ref[...] + zr_ref[...]
    m = jnp.max(o, axis=1, keepdims=True)
    lse = jnp.log(jnp.sum(jnp.exp(o - m), axis=1, keepdims=True)) + m
    out_ref[...] = o - lse


_final = pl.pallas_call(
    _final_body,
    grid=(NP // RB,),
    in_specs=[
        pl.BlockSpec((2, RB, 64), lambda i: (0, i, 0)),
        pl.BlockSpec((RB, 64), lambda i: (i, 0)),
        pl.BlockSpec((2, RB, CW), lambda i: (0, i, 0)),
        pl.BlockSpec((1, 64), lambda i: (0, 0)),
    ],
    out_specs=pl.BlockSpec((RB, 64), lambda i: (i, 0)),
    out_shape=jax.ShapeDtypeStruct((NP, 64), jnp.float32),
)


def kernel(x, edge_index, W1l, b1l, W1r, W2l, b2l, W2r):
    src = edge_index[0].astype(jnp.int32)
    dst = edge_index[1].astype(jnp.int32)
    pad = jnp.full((EP - E,), N, jnp.int32)
    srcs = jnp.concatenate([src, pad]).reshape(NW, NCHUNK, CH)
    dsts = jnp.concatenate([dst, pad]).reshape(NW, NCHUNK, CH)
    x_p = jnp.pad(x, ((0, NP - N), (0, 0)))

    zrow64 = jnp.zeros((RPT, 64), jnp.float32)
    zcnt = jnp.zeros((RPT, CW), jnp.float32)
    ones = jnp.ones((CH, CW), jnp.float32)

    s1a, cnt1 = _segsum_cnt(x_p[:, :64], srcs, dsts, zrow64, zcnt, ones)
    (s1b,) = _segsum_nc(x_p[:, 64:], srcs, dsts, zrow64)
    zl, zr = _combine(x_p, s1a, s1b, cnt1, W1l, b1l.reshape(1, -1), W1r, W2l, W2r)
    (s2,) = _segsum_nc(zl, srcs, dsts, zrow64)
    out = _final(s2, zr, cnt1, b2l.reshape(1, -1))
    return out[:N]

# --- scband reference (transcript-rebuilt; emitter-appended) ---
"""Pipeline reference for scband-graph-sage-35287451304489 (READ-ONLY COPY).

The authoritative reference and input builder live on the scoring server;
editing this copy changes nothing except your own understanding.
"""

import jax, jax.numpy as jnp
import numpy as np

N_NODES = 10000
N_EDGES = 320000
DIM_IN = 128
DIM_H = 128
DIM_OUT = 64


def setup_inputs(seed: int = 0) -> dict:
    key = jax.random.key(seed)
    k = jax.random.split(key, 8)
    x = jax.random.normal(k[0], (N_NODES, DIM_IN), dtype=jnp.float32)
    edge_index = jax.random.randint(k[1], (2, N_EDGES), 0, N_NODES, dtype=jnp.int64)
    # SAGEConv params: lin_l (neighbor aggregation, with bias), lin_r (root, no bias)
    s1 = 1.0 / np.sqrt(DIM_IN)
    W1l = jax.random.uniform(k[2], (DIM_H, DIM_IN), jnp.float32, -s1, s1)
    b1l = jnp.zeros((DIM_H,), jnp.float32)
    W1r = jax.random.uniform(k[3], (DIM_H, DIM_IN), jnp.float32, -s1, s1)
    s2 = 1.0 / np.sqrt(DIM_H)
    W2l = jax.random.uniform(k[4], (DIM_OUT, DIM_H), jnp.float32, -s2, s2)
    b2l = jnp.zeros((DIM_OUT,), jnp.float32)
    W2r = jax.random.uniform(k[5], (DIM_OUT, DIM_H), jnp.float32, -s2, s2)
    return {"x": x, "edge_index": edge_index, "W1l": W1l, "b1l": b1l, "W1r": W1r,
            "W2l": W2l, "b2l": b2l, "W2r": W2r}


def _sage_conv(x, edge_index, Wl, bl, Wr):
    src = edge_index[0]
    dst = edge_index[1]
    msgs = jnp.take(x, src, axis=0)                               # gather
    summed = jax.ops.segment_sum(msgs, dst, num_segments=x.shape[0])  # scatter-add
    cnt = jax.ops.segment_sum(jnp.ones((edge_index.shape[1],), jnp.float32), dst,
                              num_segments=x.shape[0])
    mean = summed / jnp.clip(cnt, 1.0, None)[:, None]
    return mean @ Wl.T + bl + x @ Wr.T


def reference(x, edge_index, W1l, b1l, W1r, W2l, b2l, W2r):
    h = _sage_conv(x, edge_index, W1l, b1l, W1r)
    h = jax.nn.relu(h)
    # dropout p=0.5 is identity in eval mode (training=False)
    h = _sage_conv(h, edge_index, W2l, b2l, W2r)
    return jax.nn.log_softmax(h, axis=1)

if __name__ == "__main__":
    import jax
    _d = setup_inputs()
    print(jax.jit(kernel)(*tuple(_d.values())))

</pallas_src>

<mosaic_0001>
#map = affine_map<(d0, d1) -> (0, 0)>
#map1 = affine_map<(d0, d1) -> (0, 0, 0)>
module attributes {stable_mosaic.version = 14 : i64} {
  func.func @sc_segsum_d64(%arg0: i32, %arg1: i32, %arg2: memref<10240x64xf32, #tpu.memory_space<hbm>>, %arg3: memref<32x80x128xi32, #tpu.memory_space<hbm>>, %arg4: memref<32x80x128xi32, #tpu.memory_space<hbm>>, %arg5: memref<640x64xf32, #tpu.memory_space<hbm>>, %arg6: memref<640x8xf32, #tpu.memory_space<hbm>>, %arg7: memref<128x8xf32, #tpu.memory_space<hbm>>, %arg8: memref<2x10240x64xf32, #tpu.memory_space<hbm>>, %arg9: memref<2x10240x8xf32, #tpu.memory_space<hbm>>, %arg10: memref<80x128xi32, #tpu.memory_space<vmem>>, %arg11: memref<80x128xi32, #tpu.memory_space<vmem>>, %arg12: memref<128x64xf32, #tpu.memory_space<vmem>>, %arg13: memref<128x64xf32, #tpu.memory_space<vmem>>, %arg14: memref<10240x64xf32, #tpu.memory_space<vmem_shared>>, %arg15: memref<!tpu.dma_semaphore, #tpu.memory_space<semaphore_mem>>, %arg16: memref<!tpu.dma_semaphore, #tpu.memory_space<semaphore_mem>>, %arg17: memref<128x8xf32, #tpu.memory_space<vmem>>, %arg18: memref<10240x8xf32, #tpu.memory_space<vmem_shared>>) attributes {dimension_semantics = [#tpu.dimension_semantics<core_parallel>, #tpu.dimension_semantics<subcore_parallel>], iteration_bounds = array<i64: 2, 16>, scalar_prefetch = 0 : i64, scratch_operands = 9 : i64, tpu.core_type = #tpu.core_type<sc_vector_subcore>, window_params = [{transform_indices = #map}, {transform_indices = #map1}, {transform_indices = #map1}, {transform_indices = #map}, {transform_indices = #map}, {transform_indices = #map}, {transform_indices = #map1}, {transform_indices = #map1}]} {
    %mul3A = arith.constant 2 : i32
    %mul3A_0 = arith.muli %arg1, %mul3A : i32
    %add3A = arith.addi %mul3A_0, %arg0 : i32
    "tpu.region"() ({
      %run_scoped3A = tpu.sem_alloc : memref<!tpu.dma_semaphore, #tpu.memory_space<semaphore_mem>>
      %dma_start3A_32 = arith.constant 0 : i32
      %dma_start3A_33 = arith.constant 0 : i32
      %dma_start3A_34 = tpu.memref_slice %arg3[%add3A, %dma_start3A_32, %dma_start3A_33] : memref<32x80x128xi32, #tpu.memory_space<hbm>> -> memref<1x80x128xi32, #tpu.memory_space<hbm>>
      %dma_start3A_35 = tpu.memref_squeeze %dma_start3A_34 : memref<1x80x128xi32, #tpu.memory_space<hbm>> -> memref<80x128xi32, #tpu.memory_space<hbm>>
      %dma_start3A_36 = arith.constant 0 : i32
      %dma_start3A_37 = arith.constant 0 : i32
      %dma_start3A_38 = tpu.memref_slice %arg3[%add3A, %dma_start3A_36, %dma_start3A_37] : memref<32x80x128xi32, #tpu.memory_space<hbm>> -> memref<1x80x128xi32, #tpu.memory_space<hbm>>
      %dma_start3A_39 = tpu.memref_squeeze %dma_start3A_38 : memref<1x80x128xi32, #tpu.memory_space<hbm>> -> memref<80x128xi32, #tpu.memory_space<hbm>>
      tpu.enqueue_dma source(%dma_start3A_39 : memref<80x128xi32, #tpu.memory_space<hbm>>) target(%arg10 : memref<80x128xi32, #tpu.memory_space<vmem>>) target_semaphore(%run_scoped3A : memref<!tpu.dma_semaphore, #tpu.memory_space<semaphore_mem>>)
      %dma_wait3A = arith.constant 0 : i32
      %dma_wait3A_40 = arith.constant 0 : i32
      %dma_wait3A_41 = tpu.memref_slice %arg3[%add3A, %dma_wait3A, %dma_wait3A_40] : memref<32x80x128xi32, #tpu.memory_space<hbm>> -> memref<1x80x128xi32, #tpu.memory_space<hbm>>
      %dma_wait3A_42 = tpu.memref_squeeze %dma_wait3A_41 : memref<1x80x128xi32, #tpu.memory_space<hbm>> -> memref<80x128xi32, #tpu.memory_space<hbm>>
      %dma_wait3A_43 = arith.constant 0 : i32
      %dma_wait3A_44 = arith.constant 0 : i32
      %dma_wait3A_45 = tpu.memref_slice %arg3[%add3A, %dma_wait3A_43, %dma_wait3A_44] : memref<32x80x128xi32, #tpu.memory_space<hbm>> -> memref<1x80x128xi32, #tpu.memory_space<hbm>>
      %dma_wait3A_46 = tpu.memref_squeeze %dma_wait3A_45 : memref<1x80x128xi32, #tpu.memory_space<hbm>> -> memref<80x128xi32, #tpu.memory_space<hbm>>
      tpu.wait_dma2 semaphore(%run_scoped3A : memref<!tpu.dma_semaphore, #tpu.memory_space<semaphore_mem>>) src(%dma_wait3A_46 : memref<80x128xi32, #tpu.memory_space<hbm>>) dst(%arg10 : memref<80x128xi32, #tpu.memory_space<vmem>>)
      tpu.yield
    }) : () -> ()
    "tpu.region"() ({
      %run_scoped3A = tpu.sem_alloc : memref<!tpu.dma_semaphore, #tpu.memory_space<semaphore_mem>>
      %dma_start3A_32 = arith.constant 0 : i32
      %dma_start3A_33 = arith.constant 0 : i32
      %dma_start3A_34 = tpu.memref_slice %arg4[%add3A, %dma_start3A_32, %dma_start3A_33] : memref<32x80x128xi32, #tpu.memory_space<hbm>> -> memref<1x80x128xi32, #tpu.memory_space<hbm>>
      %dma_start3A_35 = tpu.memref_squeeze %dma_start3A_34 : memref<1x80x128xi32, #tpu.memory_space<hbm>> -> memref<80x128xi32, #tpu.memory_space<hbm>>
      %dma_start3A_36 = arith.constant 0 : i32
      %dma_start3A_37 = arith.constant 0 : i32
      %dma_start3A_38 = tpu.memref_slice %arg4[%add3A, %dma_start3A_36, %dma_start3A_37] : memref<32x80x128xi32, #tpu.memory_space<hbm>> -> memref<1x80x128xi32, #tpu.memory_space<hbm>>
      %dma_start3A_39 = tpu.memref_squeeze %dma_start3A_38 : memref<1x80x128xi32, #tpu.memory_space<hbm>> -> memref<80x128xi32, #tpu.memory_space<hbm>>
      tpu.enqueue_dma source(%dma_start3A_39 : memref<80x128xi32, #tpu.memory_space<hbm>>) target(%arg11 : memref<80x128xi32, #tpu.memory_space<vmem>>) target_semaphore(%run_scoped3A : memref<!tpu.dma_semaphore, #tpu.memory_space<semaphore_mem>>)
      %dma_wait3A = arith.constant 0 : i32
      %dma_wait3A_40 = arith.constant 0 : i32
      %dma_wait3A_41 = tpu.memref_slice %arg4[%add3A, %dma_wait3A, %dma_wait3A_40] : memref<32x80x128xi32, #tpu.memory_space<hbm>> -> memref<1x80x128xi32, #tpu.memory_space<hbm>>
      %dma_wait3A_42 = tpu.memref_squeeze %dma_wait3A_41 : memref<1x80x128xi32, #tpu.memory_space<hbm>> -> memref<80x128xi32, #tpu.memory_space<hbm>>
      %dma_wait3A_43 = arith.constant 0 : i32
      %dma_wait3A_44 = arith.constant 0 : i32
      %dma_wait3A_45 = tpu.memref_slice %arg4[%add3A, %dma_wait3A_43, %dma_wait3A_44] : memref<32x80x128xi32, #tpu.memory_space<hbm>> -> memref<1x80x128xi32, #tpu.memory_space<hbm>>
      %dma_wait3A_46 = tpu.memref_squeeze %dma_wait3A_45 : memref<1x80x128xi32, #tpu.memory_space<hbm>> -> memref<80x128xi32, #tpu.memory_space<hbm>>
      tpu.wait_dma2 semaphore(%run_scoped3A : memref<!tpu.dma_semaphore, #tpu.memory_space<semaphore_mem>>) src(%dma_wait3A_46 : memref<80x128xi32, #tpu.memory_space<hbm>>) dst(%arg11 : memref<80x128xi32, #tpu.memory_space<vmem>>)
      tpu.yield
    }) : () -> ()
    %mul3A_1 = arith.constant 640 : i32
    %mul3A_2 = arith.muli %arg1, %mul3A_1 : i32
    "tpu.region"() ({
      %run_scoped3A = tpu.sem_alloc : memref<!tpu.dma_semaphore, #tpu.memory_space<semaphore_mem>>
      %dma_start3A_32 = arith.constant 0 : i32
      %dma_start3A_33 = tpu.memref_slice %arg14[%mul3A_2, %dma_start3A_32] : memref<10240x64xf32, #tpu.memory_space<vmem_shared>> -> memref<640x64xf32, #tpu.memory_space<vmem_shared>>
      tpu.enqueue_dma source(%arg5 : memref<640x64xf32, #tpu.memory_space<hbm>>) target(%dma_start3A_33 : memref<640x64xf32, #tpu.memory_space<vmem_shared>>) target_semaphore(%run_scoped3A : memref<!tpu.dma_semaphore, #tpu.memory_space<semaphore_mem>>)
      %dma_wait3A = arith.constant 0 : i32
      %dma_wait3A_34 = tpu.memref_slice %arg14[%mul3A_2, %dma_wait3A] : memref<10240x64xf32, #tpu.memory_space<vmem_shared>> -> memref<640x64xf32, #tpu.memory_space<vmem_shared>>
      tpu.wait_dma2 semaphore(%run_scoped3A : memref<!tpu.dma_semaphore, #tpu.memory_space<semaphore_mem>>) src(%arg5 : memref<640x64xf32, #tpu.memory_space<hbm>>) dst(%dma_wait3A_34 : memref<640x64xf32, #tpu.memory_space<vmem_shared>>)
      tpu.yield
    }) : () -> ()
    %mul3A_3 = arith.constant 640 : i32
    %mul3A_4 = arith.muli %arg1, %mul3A_3 : i32
    "tpu.region"() ({
      %run_scoped3A = tpu.sem_alloc : memref<!tpu.dma_semaphore, #tpu.memory_space<semaphore_mem>>
      %dma_start3A_32 = arith.constant 0 : i32
      %dma_start3A_33 = tpu.memref_slice %arg18[%mul3A_4, %dma_start3A_32] : memref<10240x8xf32, #tpu.memory_space<vmem_shared>> -> memref<640x8xf32, #tpu.memory_space<vmem_shared>>
      tpu.enqueue_dma source(%arg6 : memref<640x8xf32, #tpu.memory_space<hbm>>) target(%dma_start3A_33 : memref<640x8xf32, #tpu.memory_space<vmem_shared>>) target_semaphore(%run_scoped3A : memref<!tpu.dma_semaphore, #tpu.memory_space<semaphore_mem>>)
      %dma_wait3A = arith.constant 0 : i32
      %dma_wait3A_34 = tpu.memref_slice %arg18[%mul3A_4, %dma_wait3A] : memref<10240x8xf32, #tpu.memory_space<vmem_shared>> -> memref<640x8xf32, #tpu.memory_space<vmem_shared>>
      tpu.wait_dma2 semaphore(%run_scoped3A : memref<!tpu.dma_semaphore, #tpu.memory_space<semaphore_mem>>) src(%arg6 : memref<640x8xf32, #tpu.memory_space<hbm>>) dst(%dma_wait3A_34 : memref<640x8xf32, #tpu.memory_space<vmem_shared>>)
      tpu.yield
    }) : () -> ()
    "tpu.region"() ({
      %run_scoped3A = tpu.sem_alloc : memref<!tpu.dma_semaphore, #tpu.memory_space<semaphore_mem>>
      tpu.enqueue_dma source(%arg7 : memref<128x8xf32, #tpu.memory_space<hbm>>) target(%arg17 : memref<128x8xf32, #tpu.memory_space<vmem>>) target_semaphore(%run_scoped3A : memref<!tpu.dma_semaphore, #tpu.memory_space<semaphore_mem>>)
      tpu.wait_dma2 semaphore(%run_scoped3A : memref<!tpu.dma_semaphore, #tpu.memory_space<semaphore_mem>>) src(%arg7 : memref<128x8xf32, #tpu.memory_space<hbm>>) dst(%arg17 : memref<128x8xf32, #tpu.memory_space<vmem>>)
      tpu.yield
    }) : () -> ()
    %barrier3A = arith.constant 0 : index
    tpu.barrier barrier_id(%barrier3A)
    %dma_start3A = arith.constant 0 : i32
    %dma_start3A_5 = arith.constant 0 : i32
    %dma_start3A_6 = tpu.memref_slice %arg10[%dma_start3A, %dma_start3A_5] : memref<80x128xi32, #tpu.memory_space<vmem>> -> memref<1x128xi32, #tpu.memory_space<vmem>>
    %dma_start3A_7 = tpu.memref_squeeze %dma_start3A_6 : memref<1x128xi32, #tpu.memory_space<vmem>> -> memref<128xi32, #tpu.memory_space<vmem>>
    %dma_start3A_8 = arith.constant 0 : i32
    %dma_start3A_9 = arith.constant 0 : i32
    %dma_start3A_10 = tpu.memref_slice %arg2[%dma_start3A_8, %dma_start3A_9] : memref<10240x64xf32, #tpu.memory_space<hbm>> -> memref<10240x64xf32, #tpu.memory_space<hbm>>
    tpu.enqueue_indirect_dma source(%dma_start3A_10 : memref<10240x64xf32, #tpu.memory_space<hbm>>) target(%arg12 : memref<128x64xf32, #tpu.memory_space<vmem>>) offsets(%dma_start3A_7 : memref<128xi32, #tpu.memory_space<vmem>>) semaphore(%arg15 : memref<!tpu.dma_semaphore, #tpu.memory_space<semaphore_mem>>)
    %dma_start3A_11 = arith.constant 1 : i32
    %dma_start3A_12 = arith.constant 0 : i32
    %dma_start3A_13 = tpu.memref_slice %arg10[%dma_start3A_11, %dma_start3A_12] : memref<80x128xi32, #tpu.memory_space<vmem>> -> memref<1x128xi32, #tpu.memory_space<vmem>>
    %dma_start3A_14 = tpu.memref_squeeze %dma_start3A_13 : memref<1x128xi32, #tpu.memory_space<vmem>> -> memref<128xi32, #tpu.memory_space<vmem>>
    %dma_start3A_15 = arith.constant 0 : i32
    %dma_start3A_16 = arith.constant 0 : i32
    %dma_start3A_17 = tpu.memref_slice %arg2[%dma_start3A_15, %dma_start3A_16] : memref<10240x64xf32, #tpu.memory_space<hbm>> -> memref<10240x64xf32, #tpu.memory_space<hbm>>
    tpu.enqueue_indirect_dma source(%dma_start3A_17 : memref<10240x64xf32, #tpu.memory_space<hbm>>) target(%arg13 : memref<128x64xf32, #tpu.memory_space<vmem>>) offsets(%dma_start3A_14 : memref<128xi32, #tpu.memory_space<vmem>>) semaphore(%arg16 : memref<!tpu.dma_semaphore, #tpu.memory_space<semaphore_mem>>)
    %scan3A = arith.constant 0 : i32
    %scan3A_18 = arith.constant 0 : i32
    %scan3A_19 = arith.constant 40 : i32
    %scan3A_20 = arith.addi %scan3A_18, %scan3A_19 : i32
    %scan3A_21 = arith.constant 1 : i32
    scf.for %scan3A_32 = %scan3A_18 to %scan3A_20 step %scan3A_21  : i32 {
      %mul3A_33 = arith.constant 2 : i32
      %mul3A_34 = arith.muli %mul3A_33, %scan3A_32 : i32
      %dma_wait3A = arith.constant 0 : i32
      %dma_wait3A_35 = arith.constant 0 : i32
      %dma_wait3A_36 = tpu.memref_slice %arg10[%dma_wait3A, %dma_wait3A_35] : memref<80x128xi32, #tpu.memory_space<vmem>> -> memref<1x128xi32, #tpu.memory_space<vmem>>
      %dma_wait3A_37 = tpu.memref_squeeze %dma_wait3A_36 : memref<1x128xi32, #tpu.memory_space<vmem>> -> memref<128xi32, #tpu.memory_space<vmem>>
      %dma_wait3A_38 = arith.constant 0 : i32
      %dma_wait3A_39 = arith.constant 0 : i32
      %dma_wait3A_40 = tpu.memref_slice %arg2[%dma_wait3A_38, %dma_wait3A_39] : memref<10240x64xf32, #tpu.memory_space<hbm>> -> memref<10240x64xf32, #tpu.memory_space<hbm>>
      tpu.wait_indirect_dma semaphore(%arg15 : memref<!tpu.dma_semaphore, #tpu.memory_space<semaphore_mem>>) src(%dma_wait3A_40 : memref<10240x64xf32, #tpu.memory_space<hbm>>) dst(%arg12 : memref<128x64xf32, #tpu.memory_space<vmem>>)
      "tpu.region"() ({
        %run_scoped3A = tpu.sem_alloc : memref<!tpu.dma_semaphore, #tpu.memory_space<semaphore_mem>>
        %dma_start3A_61 = arith.constant 0 : i32
        %dma_start3A_62 = tpu.memref_slice %arg11[%mul3A_34, %dma_start3A_61] : memref<80x128xi32, #tpu.memory_space<vmem>> -> memref<1x128xi32, #tpu.memory_space<vmem>>
        %dma_start3A_63 = tpu.memref_squeeze %dma_start3A_62 : memref<1x128xi32, #tpu.memory_space<vmem>> -> memref<128xi32, #tpu.memory_space<vmem>>
        %dma_start3A_64 = arith.constant 0 : i32
        %dma_start3A_65 = arith.constant 0 : i32
        %dma_start3A_66 = tpu.memref_slice %arg14[%dma_start3A_64, %dma_start3A_65] : memref<10240x64xf32, #tpu.memory_space<vmem_shared>> -> memref<10240x64xf32, #tpu.memory_space<vmem_shared>>
        tpu.enqueue_indirect_dma source(%arg12 : memref<128x64xf32, #tpu.memory_space<vmem>>) target(%dma_start3A_66 : memref<10240x64xf32, #tpu.memory_space<vmem_shared>>) offsets(%dma_start3A_63 : memref<128xi32, #tpu.memory_space<vmem>>) semaphore(%run_scoped3A : memref<!tpu.dma_semaphore, #tpu.memory_space<semaphore_mem>>) {add = true}
        %dma_wait3A_67 = arith.constant 0 : i32
        %dma_wait3A_68 = tpu.memref_slice %arg11[%mul3A_34, %dma_wait3A_67] : memref<80x128xi32, #tpu.memory_space<vmem>> -> memref<1x128xi32, #tpu.memory_space<vmem>>
        %dma_wait3A_69 = tpu.memref_squeeze %dma_wait3A_68 : memref<1x128xi32, #tpu.memory_space<vmem>> -> memref<128xi32, #tpu.memory_space<vmem>>
        %dma_wait3A_70 = arith.constant 0 : i32
        %dma_wait3A_71 = arith.constant 0 : i32
        %dma_wait3A_72 = tpu.memref_slice %arg14[%dma_wait3A_70, %dma_wait3A_71] : memref<10240x64xf32, #tpu.memory_space<vmem_shared>> -> memref<10240x64xf32, #tpu.memory_space<vmem_shared>>
        tpu.wait_indirect_dma semaphore(%run_scoped3A : memref<!tpu.dma_semaphore, #tpu.memory_space<semaphore_mem>>) src(%arg12 : memref<128x64xf32, #tpu.memory_space<vmem>>) dst(%dma_wait3A_72 : memref<10240x64xf32, #tpu.memory_space<vmem_shared>>)
        tpu.yield
      }) : () -> ()
      "tpu.region"() ({
        %run_scoped3A = tpu.sem_alloc : memref<!tpu.dma_semaphore, #tpu.memory_space<semaphore_mem>>
        %dma_start3A_61 = arith.constant 0 : i32
        %dma_start3A_62 = tpu.memref_slice %arg11[%mul3A_34, %dma_start3A_61] : memref<80x128xi32, #tpu.memory_space<vmem>> -> memref<1x128xi32, #tpu.memory_space<vmem>>
        %dma_start3A_63 = tpu.memref_squeeze %dma_start3A_62 : memref<1x128xi32, #tpu.memory_space<vmem>> -> memref<128xi32, #tpu.memory_space<vmem>>
        %dma_start3A_64 = arith.constant 0 : i32
        %dma_start3A_65 = arith.constant 0 : i32
        %dma_start3A_66 = tpu.memref_slice %arg18[%dma_start3A_64, %dma_start3A_65] : memref<10240x8xf32, #tpu.memory_space<vmem_shared>> -> memref<10240x8xf32, #tpu.memory_space<vmem_shared>>
        tpu.enqueue_indirect_dma source(%arg17 : memref<128x8xf32, #tpu.memory_space<vmem>>) target(%dma_start3A_66 : memref<10240x8xf32, #tpu.memory_space<vmem_shared>>) offsets(%dma_start3A_63 : memref<128xi32, #tpu.memory_space<vmem>>) semaphore(%run_scoped3A : memref<!tpu.dma_semaphore, #tpu.memory_space<semaphore_mem>>) {add = true}
        %dma_wait3A_67 = arith.constant 0 : i32
        %dma_wait3A_68 = tpu.memref_slice %arg11[%mul3A_34, %dma_wait3A_67] : memref<80x128xi32, #tpu.memory_space<vmem>> -> memref<1x128xi32, #tpu.memory_space<vmem>>
        %dma_wait3A_69 = tpu.memref_squeeze %dma_wait3A_68 : memref<1x128xi32, #tpu.memory_space<vmem>> -> memref<128xi32, #tpu.memory_space<vmem>>
        %dma_wait3A_70 = arith.constant 0 : i32
        %dma_wait3A_71 = arith.constant 0 : i32
        %dma_wait3A_72 = tpu.memref_slice %arg18[%dma_wait3A_70, %dma_wait3A_71] : memref<10240x8xf32, #tpu.memory_space<vmem_shared>> -> memref<10240x8xf32, #tpu.memory_space<vmem_shared>>
        tpu.wait_indirect_dma semaphore(%run_scoped3A : memref<!tpu.dma_semaphore, #tpu.memory_space<semaphore_mem>>) src(%arg17 : memref<128x8xf32, #tpu.memory_space<vmem>>) dst(%dma_wait3A_72 : memref<10240x8xf32, #tpu.memory_space<vmem_shared>>)
        tpu.yield
      }) : () -> ()
      %add3A_41 = arith.constant 2 : i32
      %add3A_42 = arith.addi %mul3A_34, %add3A_41 : i32
      %lt3A = arith.constant 80 : i32
      %lt3A_43 = arith.cmpi slt, %add3A_42, %lt3A : i32
      %convert_element_type3A = arith.extui %lt3A_43 : i1 to i32
      %cond3A = arith.constant 0 : i32
      %cond3A_44 = arith.cmpi ne, %convert_element_type3A, %cond3A : i32
      scf.if %cond3A_44 {
        %add3A_61 = arith.constant 2 : i32
        %add3A_62 = arith.addi %mul3A_34, %add3A_61 : i32
        %dma_start3A_63 = arith.constant 0 : i32
        %dma_start3A_64 = tpu.memref_slice %arg10[%add3A_62, %dma_start3A_63] : memref<80x128xi32, #tpu.memory_space<vmem>> -> memref<1x128xi32, #tpu.memory_space<vmem>>
        %dma_start3A_65 = tpu.memref_squeeze %dma_start3A_64 : memref<1x128xi32, #tpu.memory_space<vmem>> -> memref<128xi32, #tpu.memory_space<vmem>>
        %dma_start3A_66 = arith.constant 0 : i32
        %dma_start3A_67 = arith.constant 0 : i32
        %dma_start3A_68 = tpu.memref_slice %arg2[%dma_start3A_66, %dma_start3A_67] : memref<10240x64xf32, #tpu.memory_space<hbm>> -> memref<10240x64xf32, #tpu.memory_space<hbm>>
        tpu.enqueue_indirect_dma source(%dma_start3A_68 : memref<10240x64xf32, #tpu.memory_space<hbm>>) target(%arg12 : memref<128x64xf32, #tpu.memory_space<vmem>>) offsets(%dma_start3A_65 : memref<128xi32, #tpu.memory_space<vmem>>) semaphore(%arg15 : memref<!tpu.dma_semaphore, #tpu.memory_space<semaphore_mem>>)
      } else {
      }
      %add3A_45 = arith.constant 1 : i32
      %add3A_46 = arith.addi %mul3A_34, %add3A_45 : i32
      %dma_wait3A_47 = arith.constant 0 : i32
      %dma_wait3A_48 = arith.constant 0 : i32
      %dma_wait3A_49 = tpu.memref_slice %arg10[%dma_wait3A_47, %dma_wait3A_48] : memref<80x128xi32, #tpu.memory_space<vmem>> -> memref<1x128xi32, #tpu.memory_space<vmem>>
      %dma_wait3A_50 = tpu.memref_squeeze %dma_wait3A_49 : memref<1x128xi32, #tpu.memory_space<vmem>> -> memref<128xi32, #tpu.memory_space<vmem>>
      %dma_wait3A_51 = arith.constant 0 : i32
      %dma_wait3A_52 = arith.constant 0 : i32
      %dma_wait3A_53 = tpu.memref_slice %arg2[%dma_wait3A_51, %dma_wait3A_52] : memref<10240x64xf32, #tpu.memory_space<hbm>> -> memref<10240x64xf32, #tpu.memory_space<hbm>>
      tpu.wait_indirect_dma semaphore(%arg16 : memref<!tpu.dma_semaphore, #tpu.memory_space<semaphore_mem>>) src(%dma_wait3A_53 : memref<10240x64xf32, #tpu.memory_space<hbm>>) dst(%arg13 : memref<128x64xf32, #tpu.memory_space<vmem>>)
      "tpu.region"() ({
        %run_scoped3A = tpu.sem_alloc : memref<!tpu.dma_semaphore, #tpu.memory_space<semaphore_mem>>
        %dma_start3A_61 = arith.constant 0 : i32
        %dma_start3A_62 = tpu.memref_slice %arg11[%add3A_46, %dma_start3A_61] : memref<80x128xi32, #tpu.memory_space<vmem>> -> memref<1x128xi32, #tpu.memory_space<vmem>>
        %dma_start3A_63 = tpu.memref_squeeze %dma_start3A_62 : memref<1x128xi32, #tpu.memory_space<vmem>> -> memref<128xi32, #tpu.memory_space<vmem>>
        %dma_start3A_64 = arith.constant 0 : i32
        %dma_start3A_65 = arith.constant 0 : i32
        %dma_start3A_66 = tpu.memref_slice %arg14[%dma_start3A_64, %dma_start3A_65] : memref<10240x64xf32, #tpu.memory_space<vmem_shared>> -> memref<10240x64xf32, #tpu.memory_space<vmem_shared>>
        tpu.enqueue_indirect_dma source(%arg13 : memref<128x64xf32, #tpu.memory_space<vmem>>) target(%dma_start3A_66 : memref<10240x64xf32, #tpu.memory_space<vmem_shared>>) offsets(%dma_start3A_63 : memref<128xi32, #tpu.memory_space<vmem>>) semaphore(%run_scoped3A : memref<!tpu.dma_semaphore, #tpu.memory_space<semaphore_mem>>) {add = true}
        %dma_wait3A_67 = arith.constant 0 : i32
        %dma_wait3A_68 = tpu.memref_slice %arg11[%add3A_46, %dma_wait3A_67] : memref<80x128xi32, #tpu.memory_space<vmem>> -> memref<1x128xi32, #tpu.memory_space<vmem>>
        %dma_wait3A_69 = tpu.memref_squeeze %dma_wait3A_68 : memref<1x128xi32, #tpu.memory_space<vmem>> -> memref<128xi32, #tpu.memory_space<vmem>>
        %dma_wait3A_70 = arith.constant 0 : i32
        %dma_wait3A_71 = arith.constant 0 : i32
        %dma_wait3A_72 = tpu.memref_slice %arg14[%dma_wait3A_70, %dma_wait3A_71] : memref<10240x64xf32, #tpu.memory_space<vmem_shared>> -> memref<10240x64xf32, #tpu.memory_space<vmem_shared>>
        tpu.wait_indirect_dma semaphore(%run_scoped3A : memref<!tpu.dma_semaphore, #tpu.memory_space<semaphore_mem>>) src(%arg13 : memref<128x64xf32, #tpu.memory_space<vmem>>) dst(%dma_wait3A_72 : memref<10240x64xf32, #tpu.memory_space<vmem_shared>>)
        tpu.yield
      }) : () -> ()
      "tpu.region"() ({
        %run_scoped3A = tpu.sem_alloc : memref<!tpu.dma_semaphore, #tpu.memory_space<semaphore_mem>>
        %dma_start3A_61 = arith.constant 0 : i32
        %dma_start3A_62 = tpu.memref_slice %arg11[%add3A_46, %dma_start3A_61] : memref<80x128xi32, #tpu.memory_space<vmem>> -> memref<1x128xi32, #tpu.memory_space<vmem>>
        %dma_start3A_63 = tpu.memref_squeeze %dma_start3A_62 : memref<1x128xi32, #tpu.memory_space<vmem>> -> memref<128xi32, #tpu.memory_space<vmem>>
        %dma_start3A_64 = arith.constant 0 : i32
        %dma_start3A_65 = arith.constant 0 : i32
        %dma_start3A_66 = tpu.memref_slice %arg18[%dma_start3A_64, %dma_start3A_65] : memref<10240x8xf32, #tpu.memory_space<vmem_shared>> -> memref<10240x8xf32, #tpu.memory_space<vmem_shared>>
        tpu.enqueue_indirect_dma source(%arg17 : memref<128x8xf32, #tpu.memory_space<vmem>>) target(%dma_start3A_66 : memref<10240x8xf32, #tpu.memory_space<vmem_shared>>) offsets(%dma_start3A_63 : memref<128xi32, #tpu.memory_space<vmem>>) semaphore(%run_scoped3A : memref<!tpu.dma_semaphore, #tpu.memory_space<semaphore_mem>>) {add = true}
        %dma_wait3A_67 = arith.constant 0 : i32
        %dma_wait3A_68 = tpu.memref_slice %arg11[%add3A_46, %dma_wait3A_67] : memref<80x128xi32, #tpu.memory_space<vmem>> -> memref<1x128xi32, #tpu.memory_space<vmem>>
        %dma_wait3A_69 = tpu.memref_squeeze %dma_wait3A_68 : memref<1x128xi32, #tpu.memory_space<vmem>> -> memref<128xi32, #tpu.memory_space<vmem>>
        %dma_wait3A_70 = arith.constant 0 : i32
        %dma_wait3A_71 = arith.constant 0 : i32
        %dma_wait3A_72 = tpu.memref_slice %arg18[%dma_wait3A_70, %dma_wait3A_71] : memref<10240x8xf32, #tpu.memory_space<vmem_shared>> -> memref<10240x8xf32, #tpu.memory_space<vmem_shared>>
        tpu.wait_indirect_dma semaphore(%run_scoped3A : memref<!tpu.dma_semaphore, #tpu.memory_space<semaphore_mem>>) src(%arg17 : memref<128x8xf32, #tpu.memory_space<vmem>>) dst(%dma_wait3A_72 : memref<10240x8xf32, #tpu.memory_space<vmem_shared>>)
        tpu.yield
      }) : () -> ()
      %add3A_54 = arith.constant 2 : i32
      %add3A_55 = arith.addi %add3A_46, %add3A_54 : i32
      %lt3A_56 = arith.constant 80 : i32
      %lt3A_57 = arith.cmpi slt, %add3A_55, %lt3A_56 : i32
      %convert_element_type3A_58 = arith.extui %lt3A_57 : i1 to i32
      %cond3A_59 = arith.constant 0 : i32
      %cond3A_60 = arith.cmpi ne, %convert_element_type3A_58, %cond3A_59 : i32
      scf.if %cond3A_60 {
        %add3A_61 = arith.constant 2 : i32
        %add3A_62 = arith.addi %add3A_46, %add3A_61 : i32
        %dma_start3A_63 = arith.constant 0 : i32
        %dma_start3A_64 = tpu.memref_slice %arg10[%add3A_62, %dma_start3A_63] : memref<80x128xi32, #tpu.memory_space<vmem>> -> memref<1x128xi32, #tpu.memory_space<vmem>>
        %dma_start3A_65 = tpu.memref_squeeze %dma_start3A_64 : memref<1x128xi32, #tpu.memory_space<vmem>> -> memref<128xi32, #tpu.memory_space<vmem>>
        %dma_start3A_66 = arith.constant 0 : i32
        %dma_start3A_67 = arith.constant 0 : i32
        %dma_start3A_68 = tpu.memref_slice %arg2[%dma_start3A_66, %dma_start3A_67] : memref<10240x64xf32, #tpu.memory_space<hbm>> -> memref<10240x64xf32, #tpu.memory_space<hbm>>
        tpu.enqueue_indirect_dma source(%dma_start3A_68 : memref<10240x64xf32, #tpu.memory_space<hbm>>) target(%arg13 : memref<128x64xf32, #tpu.memory_space<vmem>>) offsets(%dma_start3A_65 : memref<128xi32, #tpu.memory_space<vmem>>) semaphore(%arg16 : memref<!tpu.dma_semaphore, #tpu.memory_space<semaphore_mem>>)
      } else {
      }
    }
    %scan3A_22 = arith.constant 40 : i32
    %barrier3A_23 = arith.constant 0 : index
    tpu.barrier barrier_id(%barrier3A_23)
    %mul3A_24 = arith.constant 640 : i32
    %mul3A_25 = arith.muli %arg1, %mul3A_24 : i32
    %mul3A_26 = arith.constant 640 : i32
    %mul3A_27 = arith.muli %arg1, %mul3A_26 : i32
    "tpu.region"() ({
      %run_scoped3A = tpu.sem_alloc : memref<!tpu.dma_semaphore, #tpu.memory_space<semaphore_mem>>
      %dma_start3A_32 = arith.constant 0 : i32
      %dma_start3A_33 = tpu.memref_slice %arg8[%arg0, %mul3A_27, %dma_start3A_32] : memref<2x10240x64xf32, #tpu.memory_space<hbm>> -> memref<1x640x64xf32, #tpu.memory_space<hbm>>
      %dma_start3A_34 = tpu.memref_squeeze %dma_start3A_33 : memref<1x640x64xf32, #tpu.memory_space<hbm>> -> memref<640x64xf32, #tpu.memory_space<hbm>>
      %dma_start3A_35 = arith.constant 0 : i32
      %dma_start3A_36 = tpu.memref_slice %arg14[%mul3A_25, %dma_start3A_35] : memref<10240x64xf32, #tpu.memory_space<vmem_shared>> -> memref<640x64xf32, #tpu.memory_space<vmem_shared>>
      tpu.enqueue_dma source(%dma_start3A_36 : memref<640x64xf32, #tpu.memory_space<vmem_shared>>) target(%dma_start3A_34 : memref<640x64xf32, #tpu.memory_space<hbm>>) target_semaphore(%run_scoped3A : memref<!tpu.dma_semaphore, #tpu.memory_space<semaphore_mem>>)
      %dma_wait3A = arith.constant 0 : i32
      %dma_wait3A_37 = tpu.memref_slice %arg8[%arg0, %mul3A_27, %dma_wait3A] : memref<2x10240x64xf32, #tpu.memory_space<hbm>> -> memref<1x640x64xf32, #tpu.memory_space<hbm>>
      %dma_wait3A_38 = tpu.memref_squeeze %dma_wait3A_37 : memref<1x640x64xf32, #tpu.memory_space<hbm>> -> memref<640x64xf32, #tpu.memory_space<hbm>>
      %dma_wait3A_39 = arith.constant 0 : i32
      %dma_wait3A_40 = tpu.memref_slice %arg14[%mul3A_25, %dma_wait3A_39] : memref<10240x64xf32, #tpu.memory_space<vmem_shared>> -> memref<640x64xf32, #tpu.memory_space<vmem_shared>>
      tpu.wait_dma2 semaphore(%run_scoped3A : memref<!tpu.dma_semaphore, #tpu.memory_space<semaphore_mem>>) src(%dma_wait3A_40 : memref<640x64xf32, #tpu.memory_space<vmem_shared>>) dst(%dma_wait3A_38 : memref<640x64xf32, #tpu.memory_space<hbm>>)
      tpu.yield
    }) : () -> ()
    %mul3A_28 = arith.constant 640 : i32
    %mul3A_29 = arith.muli %arg1, %mul3A_28 : i32
    %mul3A_30 = arith.constant 640 : i32
    %mul3A_31 = arith.muli %arg1, %mul3A_30 : i32
    "tpu.region"() ({
      %run_scoped3A = tpu.sem_alloc : memref<!tpu.dma_semaphore, #tpu.memory_space<semaphore_mem>>
      %dma_start3A_32 = arith.constant 0 : i32
      %dma_start3A_33 = tpu.memref_slice %arg9[%arg0, %mul3A_31, %dma_start3A_32] : memref<2x10240x8xf32, #tpu.memory_space<hbm>> -> memref<1x640x8xf32, #tpu.memory_space<hbm>>
      %dma_start3A_34 = tpu.memref_squeeze %dma_start3A_33 : memref<1x640x8xf32, #tpu.memory_space<hbm>> -> memref<640x8xf32, #tpu.memory_space<hbm>>
      %dma_start3A_35 = arith.constant 0 : i32
      %dma_start3A_36 = tpu.memref_slice %arg18[%mul3A_29, %dma_start3A_35] : memref<10240x8xf32, #tpu.memory_space<vmem_shared>> -> memref<640x8xf32, #tpu.memory_space<vmem_shared>>
      tpu.enqueue_dma source(%dma_start3A_36 : memref<640x8xf32, #tpu.memory_space<vmem_shared>>) target(%dma_start3A_34 : memref<640x8xf32, #tpu.memory_space<hbm>>) target_semaphore(%run_scoped3A : memref<!tpu.dma_semaphore, #tpu.memory_space<semaphore_mem>>)
      %dma_wait3A = arith.constant 0 : i32
      %dma_wait3A_37 = tpu.memref_slice %arg9[%arg0, %mul3A_31, %dma_wait3A] : memref<2x10240x8xf32, #tpu.memory_space<hbm>> -> memref<1x640x8xf32, #tpu.memory_space<hbm>>
      %dma_wait3A_38 = tpu.memref_squeeze %dma_wait3A_37 : memref<1x640x8xf32, #tpu.memory_space<hbm>> -> memref<640x8xf32, #tpu.memory_space<hbm>>
      %dma_wait3A_39 = arith.constant 0 : i32
      %dma_wait3A_40 = tpu.memref_slice %arg18[%mul3A_29, %dma_wait3A_39] : memref<10240x8xf32, #tpu.memory_space<vmem_shared>> -> memref<640x8xf32, #tpu.memory_space<vmem_shared>>
      tpu.wait_dma2 semaphore(%run_scoped3A : memref<!tpu.dma_semaphore, #tpu.memory_space<semaphore_mem>>) src(%dma_wait3A_40 : memref<640x8xf32, #tpu.memory_space<vmem_shared>>) dst(%dma_wait3A_38 : memref<640x8xf32, #tpu.memory_space<hbm>>)
      tpu.yield
    }) : () -> ()
    return
  }
}

#map = affine_map<(d0, d1) -> (0, 0)>
#map1 = affine_map<(d0, d1) -> (0, 0, 0)>
module attributes {stable_mosaic.version = 14 : i64} {
  func.func @sc_segsum_d64(%arg0: i32, %arg1: i32, %arg2: memref<10240x64xf32, #tpu.memory_space<hbm>>, %arg3: memref<32x80x128xi32, #tpu.memory_space<hbm>>, %arg4: memref<32x80x128xi32, #tpu.memory_space<hbm>>, %arg5: memref<640x64xf32, #tpu.memory_space<hbm>>, %arg6: memref<2x10240x64xf32, #tpu.memory_space<hbm>>, %arg7: memref<80x128xi32, #tpu.memory_space<vmem>>, %arg8: memref<80x128xi32, #tpu.memory_space<vmem>>, %arg9: memref<128x64xf32, #tpu.memory_space<vmem>>, %arg10: memref<128x64xf32, #tpu.memory_space<vmem>>, %arg11: memref<10240x64xf32, #tpu.memory_space<vmem_shared>>, %arg12: memref<!tpu.dma_semaphore, #tpu.memory_space<semaphore_mem>>, %arg13: memref<!tpu.dma_semaphore, #tpu.memory_space<semaphore_mem>>) attributes {dimension_semantics = [#tpu.dimension_semantics<core_parallel>, #tpu.dimension_semantics<subcore_parallel>], iteration_bounds = array<i64: 2, 16>, scalar_prefetch = 0 : i64, scratch_operands = 7 : i64, tpu.core_type = #tpu.core_type<sc_vector_subcore>, window_params = [{transform_indices = #map}, {transform_indices = #map1}, {transform_indices = #map1}, {transform_indices = #map}, {transform_indices = #map1}]} {
    %mul3A = arith.constant 2 : i32
    %mul3A_0 = arith.muli %arg1, %mul3A : i32
    %add3A = arith.addi %mul3A_0, %arg0 : i32
    "tpu.region"() ({
      %run_scoped3A = tpu.sem_alloc : memref<!tpu.dma_semaphore, #tpu.memory_space<semaphore_mem>>
      %dma_start3A_26 = arith.constant 0 : i32
      %dma_start3A_27 = arith.constant 0 : i32
      %dma_start3A_28 = tpu.memref_slice %arg3[%add3A, %dma_start3A_26, %dma_start3A_27] : memref<32x80x128xi32, #tpu.memory_space<hbm>> -> memref<1x80x128xi32, #tpu.memory_space<hbm>>
      %dma_start3A_29 = tpu.memref_squeeze %dma_start3A_28 : memref<1x80x128xi32, #tpu.memory_space<hbm>> -> memref<80x128xi32, #tpu.memory_space<hbm>>
      %dma_start3A_30 = arith.constant 0 : i32
      %dma_start3A_31 = arith.constant 0 : i32
      %dma_start3A_32 = tpu.memref_slice %arg3[%add3A, %dma_start3A_30, %dma_start3A_31] : memref<32x80x128xi32, #tpu.memory_space<hbm>> -> memref<1x80x128xi32, #tpu.memory_space<hbm>>
      %dma_start3A_33 = tpu.memref_squeeze %dma_start3A_32 : memref<1x80x128xi32, #tpu.memory_space<hbm>> -> memref<80x128xi32, #tpu.memory_space<hbm>>
      tpu.enqueue_dma source(%dma_start3A_33 : memref<80x128xi32, #tpu.memory_space<hbm>>) target(%arg7 : memref<80x128xi32, #tpu.memory_space<vmem>>) target_semaphore(%run_scoped3A : memref<!tpu.dma_semaphore, #tpu.memory_space<semaphore_mem>>)
      %dma_wait3A = arith.constant 0 : i32
      %dma_wait3A_34 = arith.constant 0 : i32
      %dma_wait3A_35 = tpu.memref_slice %arg3[%add3A, %dma_wait3A, %dma_wait3A_34] : memref<32x80x128xi32, #tpu.memory_space<hbm>> -> memref<1x80x128xi32, #tpu.memory_space<hbm>>
      %dma_wait3A_36 = tpu.memref_squeeze %dma_wait3A_35 : memref<1x80x128xi32, #tpu.memory_space<hbm>> -> memref<80x128xi32, #tpu.memory_space<hbm>>
      %dma_wait3A_37 = arith.constant 0 : i32
      %dma_wait3A_38 = arith.constant 0 : i32
      %dma_wait3A_39 = tpu.memref_slice %arg3[%add3A, %dma_wait3A_37, %dma_wait3A_38] : memref<32x80x128xi32, #tpu.memory_space<hbm>> -> memref<1x80x128xi32, #tpu.memory_space<hbm>>
      %dma_wait3A_40 = tpu.memref_squeeze %dma_wait3A_39 : memref<1x80x128xi32, #tpu.memory_space<hbm>> -> memref<80x128xi32, #tpu.memory_space<hbm>>
      tpu.wait_dma2 semaphore(%run_scoped3A : memref<!tpu.dma_semaphore, #tpu.memory_space<semaphore_mem>>) src(%dma_wait3A_40 : memref<80x128xi32, #tpu.memory_space<hbm>>) dst(%arg7 : memref<80x128xi32, #tpu.memory_space<vmem>>)
      tpu.yield
    }) : () -> ()
    "tpu.region"() ({
      %run_scoped3A = tpu.sem_alloc : memref<!tpu.dma_semaphore, #tpu.memory_space<semaphore_mem>>
      %dma_start3A_26 = arith.constant 0 : i32
      %dma_start3A_27 = arith.constant 0 : i32
      %dma_start3A_28 = tpu.memref_slice %arg4[%add3A, %dma_start3A_26, %dma_start3A_27] : memref<32x80x128xi32, #tpu.memory_space<hbm>> -> memref<1x80x128xi32, #tpu.memory_space<hbm>>
      %dma_start3A_29 = tpu.memref_squeeze %dma_start3A_28 : memref<1x80x128xi32, #tpu.memory_space<hbm>> -> memref<80x128xi32, #tpu.memory_space<hbm>>
      %dma_start3A_30 = arith.constant 0 : i32
      %dma_start3A_31 = arith.constant 0 : i32
      %dma_start3A_32 = tpu.memref_slice %arg4[%add3A, %dma_start3A_30, %dma_start3A_31] : memref<32x80x128xi32, #tpu.memory_space<hbm>> -> memref<1x80x128xi32, #tpu.memory_space<hbm>>
      %dma_start3A_33 = tpu.memref_squeeze %dma_start3A_32 : memref<1x80x128xi32, #tpu.memory_space<hbm>> -> memref<80x128xi32, #tpu.memory_space<hbm>>
      tpu.enqueue_dma source(%dma_start3A_33 : memref<80x128xi32, #tpu.memory_space<hbm>>) target(%arg8 : memref<80x128xi32, #tpu.memory_space<vmem>>) target_semaphore(%run_scoped3A : memref<!tpu.dma_semaphore, #tpu.memory_space<semaphore_mem>>)
      %dma_wait3A = arith.constant 0 : i32
      %dma_wait3A_34 = arith.constant 0 : i32
      %dma_wait3A_35 = tpu.memref_slice %arg4[%add3A, %dma_wait3A, %dma_wait3A_34] : memref<32x80x128xi32, #tpu.memory_space<hbm>> -> memref<1x80x128xi32, #tpu.memory_space<hbm>>
      %dma_wait3A_36 = tpu.memref_squeeze %dma_wait3A_35 : memref<1x80x128xi32, #tpu.memory_space<hbm>> -> memref<80x128xi32, #tpu.memory_space<hbm>>
      %dma_wait3A_37 = arith.constant 0 : i32
      %dma_wait3A_38 = arith.constant 0 : i32
      %dma_wait3A_39 = tpu.memref_slice %arg4[%add3A, %dma_wait3A_37, %dma_wait3A_38] : memref<32x80x128xi32, #tpu.memory_space<hbm>> -> memref<1x80x128xi32, #tpu.memory_space<hbm>>
      %dma_wait3A_40 = tpu.memref_squeeze %dma_wait3A_39 : memref<1x80x128xi32, #tpu.memory_space<hbm>> -> memref<80x128xi32, #tpu.memory_space<hbm>>
      tpu.wait_dma2 semaphore(%run_scoped3A : memref<!tpu.dma_semaphore, #tpu.memory_space<semaphore_mem>>) src(%dma_wait3A_40 : memref<80x128xi32, #tpu.memory_space<hbm>>) dst(%arg8 : memref<80x128xi32, #tpu.memory_space<vmem>>)
      tpu.yield
    }) : () -> ()
    %mul3A_1 = arith.constant 640 : i32
    %mul3A_2 = arith.muli %arg1, %mul3A_1 : i32
    "tpu.region"() ({
      %run_scoped3A = tpu.sem_alloc : memref<!tpu.dma_semaphore, #tpu.memory_space<semaphore_mem>>
      %dma_start3A_26 = arith.constant 0 : i32
      %dma_start3A_27 = tpu.memref_slice %arg11[%mul3A_2, %dma_start3A_26] : memref<10240x64xf32, #tpu.memory_space<vmem_shared>> -> memref<640x64xf32, #tpu.memory_space<vmem_shared>>
      tpu.enqueue_dma source(%arg5 : memref<640x64xf32, #tpu.memory_space<hbm>>) target(%dma_start3A_27 : memref<640x64xf32, #tpu.memory_space<vmem_shared>>) target_semaphore(%run_scoped3A : memref<!tpu.dma_semaphore, #tpu.memory_space<semaphore_mem>>)
      %dma_wait3A = arith.constant 0 : i32
      %dma_wait3A_28 = tpu.memref_slice %arg11[%mul3A_2, %dma_wait3A] : memref<10240x64xf32, #tpu.memory_space<vmem_shared>> -> memref<640x64xf32, #tpu.memory_space<vmem_shared>>
      tpu.wait_dma2 semaphore(%run_scoped3A : memref<!tpu.dma_semaphore, #tpu.memory_space<semaphore_mem>>) src(%arg5 : memref<640x64xf32, #tpu.memory_space<hbm>>) dst(%dma_wait3A_28 : memref<640x64xf32, #tpu.memory_space<vmem_shared>>)
      tpu.yield
    }) : () -> ()
    %barrier3A = arith.constant 0 : index
    tpu.barrier barrier_id(%barrier3A)
    %dma_start3A = arith.constant 0 : i32
    %dma_start3A_3 = arith.constant 0 : i32
    %dma_start3A_4 = tpu.memref_slice %arg7[%dma_start3A, %dma_start3A_3] : memref<80x128xi32, #tpu.memory_space<vmem>> -> memref<1x128xi32, #tpu.memory_space<vmem>>
    %dma_start3A_5 = tpu.memref_squeeze %dma_start3A_4 : memref<1x128xi32, #tpu.memory_space<vmem>> -> memref<128xi32, #tpu.memory_space<vmem>>
    %dma_start3A_6 = arith.constant 0 : i32
    %dma_start3A_7 = arith.constant 0 : i32
    %dma_start3A_8 = tpu.memref_slice %arg2[%dma_start3A_6, %dma_start3A_7] : memref<10240x64xf32, #tpu.memory_space<hbm>> -> memref<10240x64xf32, #tpu.memory_space<hbm>>
    tpu.enqueue_indirect_dma source(%dma_start3A_8 : memref<10240x64xf32, #tpu.memory_space<hbm>>) target(%arg9 : memref<128x64xf32, #tpu.memory_space<vmem>>) offsets(%dma_start3A_5 : memref<128xi32, #tpu.memory_space<vmem>>) semaphore(%arg12 : memref<!tpu.dma_semaphore, #tpu.memory_space<semaphore_mem>>)
    %dma_start3A_9 = arith.constant 1 : i32
    %dma_start3A_10 = arith.constant 0 : i32
    %dma_start3A_11 = tpu.memref_slice %arg7[%dma_start3A_9, %dma_start3A_10] : memref<80x128xi32, #tpu.memory_space<vmem>> -> memref<1x128xi32, #tpu.memory_space<vmem>>
    %dma_start3A_12 = tpu.memref_squeeze %dma_start3A_11 : memref<1x128xi32, #tpu.memory_space<vmem>> -> memref<128xi32, #tpu.memory_space<vmem>>
    %dma_start3A_13 = arith.constant 0 : i32
    %dma_start3A_14 = arith.constant 0 : i32
    %dma_start3A_15 = tpu.memref_slice %arg2[%dma_start3A_13, %dma_start3A_14] : memref<10240x64xf32, #tpu.memory_space<hbm>> -> memref<10240x64xf32, #tpu.memory_space<hbm>>
    tpu.enqueue_indirect_dma source(%dma_start3A_15 : memref<10240x64xf32, #tpu.memory_space<hbm>>) target(%arg10 : memref<128x64xf32, #tpu.memory_space<vmem>>) offsets(%dma_start3A_12 : memref<128xi32, #tpu.memory_space<vmem>>) semaphore(%arg13 : memref<!tpu.dma_semaphore, #tpu.memory_space<semaphore_mem>>)
    %scan3A = arith.constant 0 : i32
    %scan3A_16 = arith.constant 0 : i32
    %scan3A_17 = arith.constant 40 : i32
    %scan3A_18 = arith.addi %scan3A_16, %scan3A_17 : i32
    %scan3A_19 = arith.constant 1 : i32
    scf.for %scan3A_26 = %scan3A_16 to %scan3A_18 step %scan3A_19  : i32 {
      %mul3A_27 = arith.constant 2 : i32
      %mul3A_28 = arith.muli %mul3A_27, %scan3A_26 : i32
      %dma_wait3A = arith.constant 0 : i32
      %dma_wait3A_29 = arith.constant 0 : i32
      %dma_wait3A_30 = tpu.memref_slice %arg7[%dma_wait3A, %dma_wait3A_29] : memref<80x128xi32, #tpu.memory_space<vmem>> -> memref<1x128xi32, #tpu.memory_space<vmem>>
      %dma_wait3A_31 = tpu.memref_squeeze %dma_wait3A_30 : memref<1x128xi32, #tpu.memory_space<vmem>> -> memref<128xi32, #tpu.memory_space<vmem>>
      %dma_wait3A_32 = arith.constant 0 : i32
      %dma_wait3A_33 = arith.constant 0 : i32
      %dma_wait3A_34 = tpu.memref_slice %arg2[%dma_wait3A_32, %dma_wait3A_33] : memref<10240x64xf32, #tpu.memory_space<hbm>> -> memref<10240x64xf32, #tpu.memory_space<hbm>>
      tpu.wait_indirect_dma semaphore(%arg12 : memref<!tpu.dma_semaphore, #tpu.memory_space<semaphore_mem>>) src(%dma_wait3A_34 : memref<10240x64xf32, #tpu.memory_space<hbm>>) dst(%arg9 : memref<128x64xf32, #tpu.memory_space<vmem>>)
      "tpu.region"() ({
        %run_scoped3A = tpu.sem_alloc : memref<!tpu.dma_semaphore, #tpu.memory_space<semaphore_mem>>
        %dma_start3A_55 = arith.constant 0 : i32
        %dma_start3A_56 = tpu.memref_slice %arg8[%mul3A_28, %dma_start3A_55] : memref<80x128xi32, #tpu.memory_space<vmem>> -> memref<1x128xi32, #tpu.memory_space<vmem>>
        %dma_start3A_57 = tpu.memref_squeeze %dma_start3A_56 : memref<1x128xi32, #tpu.memory_space<vmem>> -> memref<128xi32, #tpu.memory_space<vmem>>
        %dma_start3A_58 = arith.constant 0 : i32
        %dma_start3A_59 = arith.constant 0 : i32
        %dma_start3A_60 = tpu.memref_slice %arg11[%dma_start3A_58, %dma_start3A_59] : memref<10240x64xf32, #tpu.memory_space<vmem_shared>> -> memref<10240x64xf32, #tpu.memory_space<vmem_shared>>
        tpu.enqueue_indirect_dma source(%arg9 : memref<128x64xf32, #tpu.memory_space<vmem>>) target(%dma_start3A_60 : memref<10240x64xf32, #tpu.memory_space<vmem_shared>>) offsets(%dma_start3A_57 : memref<128xi32, #tpu.memory_space<vmem>>) semaphore(%run_scoped3A : memref<!tpu.dma_semaphore, #tpu.memory_space<semaphore_mem>>) {add = true}
        %dma_wait3A_61 = arith.constant 0 : i32
        %dma_wait3A_62 = tpu.memref_slice %arg8[%mul3A_28, %dma_wait3A_61] : memref<80x128xi32, #tpu.memory_space<vmem>> -> memref<1x128xi32, #tpu.memory_space<vmem>>
        %dma_wait3A_63 = tpu.memref_squeeze %dma_wait3A_62 : memref<1x128xi32, #tpu.memory_space<vmem>> -> memref<128xi32, #tpu.memory_space<vmem>>
        %dma_wait3A_64 = arith.constant 0 : i32
        %dma_wait3A_65 = arith.constant 0 : i32
        %dma_wait3A_66 = tpu.memref_slice %arg11[%dma_wait3A_64, %dma_wait3A_65] : memref<10240x64xf32, #tpu.memory_space<vmem_shared>> -> memref<10240x64xf32, #tpu.memory_space<vmem_shared>>
        tpu.wait_indirect_dma semaphore(%run_scoped3A : memref<!tpu.dma_semaphore, #tpu.memory_space<semaphore_mem>>) src(%arg9 : memref<128x64xf32, #tpu.memory_space<vmem>>) dst(%dma_wait3A_66 : memref<10240x64xf32, #tpu.memory_space<vmem_shared>>)
        tpu.yield
      }) : () -> ()
      %add3A_35 = arith.constant 2 : i32
      %add3A_36 = arith.addi %mul3A_28, %add3A_35 : i32
      %lt3A = arith.constant 80 : i32
      %lt3A_37 = arith.cmpi slt, %add3A_36, %lt3A : i32
      %convert_element_type3A = arith.extui %lt3A_37 : i1 to i32
      %cond3A = arith.constant 0 : i32
      %cond3A_38 = arith.cmpi ne, %convert_element_type3A, %cond3A : i32
      scf.if %cond3A_38 {
        %add3A_55 = arith.constant 2 : i32
        %add3A_56 = arith.addi %mul3A_28, %add3A_55 : i32
        %dma_start3A_57 = arith.constant 0 : i32
        %dma_start3A_58 = tpu.memref_slice %arg7[%add3A_56, %dma_start3A_57] : memref<80x128xi32, #tpu.memory_space<vmem>> -> memref<1x128xi32, #tpu.memory_space<vmem>>
        %dma_start3A_59 = tpu.memref_squeeze %dma_start3A_58 : memref<1x128xi32, #tpu.memory_space<vmem>> -> memref<128xi32, #tpu.memory_space<vmem>>
        %dma_start3A_60 = arith.constant 0 : i32
        %dma_start3A_61 = arith.constant 0 : i32
        %dma_start3A_62 = tpu.memref_slice %arg2[%dma_start3A_60, %dma_start3A_61] : memref<10240x64xf32, #tpu.memory_space<hbm>> -> memref<10240x64xf32, #tpu.memory_space<hbm>>
        tpu.enqueue_indirect_dma source(%dma_start3A_62 : memref<10240x64xf32, #tpu.memory_space<hbm>>) target(%arg9 : memref<128x64xf32, #tpu.memory_space<vmem>>) offsets(%dma_start3A_59 : memref<128xi32, #tpu.memory_space<vmem>>) semaphore(%arg12 : memref<!tpu.dma_semaphore, #tpu.memory_space<semaphore_mem>>)
      } else {
      }
      %add3A_39 = arith.constant 1 : i32
      %add3A_40 = arith.addi %mul3A_28, %add3A_39 : i32
      %dma_wait3A_41 = arith.constant 0 : i32
      %dma_wait3A_42 = arith.constant 0 : i32
      %dma_wait3A_43 = tpu.memref_slice %arg7[%dma_wait3A_41, %dma_wait3A_42] : memref<80x128xi32, #tpu.memory_space<vmem>> -> memref<1x128xi32, #tpu.memory_space<vmem>>
      %dma_wait3A_44 = tpu.memref_squeeze %dma_wait3A_43 : memref<1x128xi32, #tpu.memory_space<vmem>> -> memref<128xi32, #tpu.memory_space<vmem>>
      %dma_wait3A_45 = arith.constant 0 : i32
      %dma_wait3A_46 = arith.constant 0 : i32
      %dma_wait3A_47 = tpu.memref_slice %arg2[%dma_wait3A_45, %dma_wait3A_46] : memref<10240x64xf32, #tpu.memory_space<hbm>> -> memref<10240x64xf32, #tpu.memory_space<hbm>>
      tpu.wait_indirect_dma semaphore(%arg13 : memref<!tpu.dma_semaphore, #tpu.memory_space<semaphore_mem>>) src(%dma_wait3A_47 : memref<10240x64xf32, #tpu.memory_space<hbm>>) dst(%arg10 : memref<128x64xf32, #tpu.memory_space<vmem>>)
      "tpu.region"() ({
        %run_scoped3A = tpu.sem_alloc : memref<!tpu.dma_semaphore, #tpu.memory_space<semaphore_mem>>
        %dma_start3A_55 = arith.constant 0 : i32
        %dma_start3A_56 = tpu.memref_slice %arg8[%add3A_40, %dma_start3A_55] : memref<80x128xi32, #tpu.memory_space<vmem>> -> memref<1x128xi32, #tpu.memory_space<vmem>>
        %dma_start3A_57 = tpu.memref_squeeze %dma_start3A_56 : memref<1x128xi32, #tpu.memory_space<vmem>> -> memref<128xi32, #tpu.memory_space<vmem>>
        %dma_start3A_58 = arith.constant 0 : i32
        %dma_start3A_59 = arith.constant 0 : i32
        %dma_start3A_60 = tpu.memref_slice %arg11[%dma_start3A_58, %dma_start3A_59] : memref<10240x64xf32, #tpu.memory_space<vmem_shared>> -> memref<10240x64xf32, #tpu.memory_space<vmem_shared>>
        tpu.enqueue_indirect_dma source(%arg10 : memref<128x64xf32, #tpu.memory_space<vmem>>) target(%dma_start3A_60 : memref<10240x64xf32, #tpu.memory_space<vmem_shared>>) offsets(%dma_start3A_57 : memref<128xi32, #tpu.memory_space<vmem>>) semaphore(%run_scoped3A : memref<!tpu.dma_semaphore, #tpu.memory_space<semaphore_mem>>) {add = true}
        %dma_wait3A_61 = arith.constant 0 : i32
        %dma_wait3A_62 = tpu.memref_slice %arg8[%add3A_40, %dma_wait3A_61] : memref<80x128xi32, #tpu.memory_space<vmem>> -> memref<1x128xi32, #tpu.memory_space<vmem>>
        %dma_wait3A_63 = tpu.memref_squeeze %dma_wait3A_62 : memref<1x128xi32, #tpu.memory_space<vmem>> -> memref<128xi32, #tpu.memory_space<vmem>>
        %dma_wait3A_64 = arith.constant 0 : i32
        %dma_wait3A_65 = arith.constant 0 : i32
        %dma_wait3A_66 = tpu.memref_slice %arg11[%dma_wait3A_64, %dma_wait3A_65] : memref<10240x64xf32, #tpu.memory_space<vmem_shared>> -> memref<10240x64xf32, #tpu.memory_space<vmem_shared>>
        tpu.wait_indirect_dma semaphore(%run_scoped3A : memref<!tpu.dma_semaphore, #tpu.memory_space<semaphore_mem>>) src(%arg10 : memref<128x64xf32, #tpu.memory_space<vmem>>) dst(%dma_wait3A_66 : memref<10240x64xf32, #tpu.memory_space<vmem_shared>>)
        tpu.yield
      }) : () -> ()
      %add3A_48 = arith.constant 2 : i32
      %add3A_49 = arith.addi %add3A_40, %add3A_48 : i32
      %lt3A_50 = arith.constant 80 : i32
      %lt3A_51 = arith.cmpi slt, %add3A_49, %lt3A_50 : i32
      %convert_element_type3A_52 = arith.extui %lt3A_51 : i1 to i32
      %cond3A_53 = arith.constant 0 : i32
      %cond3A_54 = arith.cmpi ne, %convert_element_type3A_52, %cond3A_53 : i32
      scf.if %cond3A_54 {
        %add3A_55 = arith.constant 2 : i32
        %add3A_56 = arith.addi %add3A_40, %add3A_55 : i32
        %dma_start3A_57 = arith.constant 0 : i32
        %dma_start3A_58 = tpu.memref_slice %arg7[%add3A_56, %dma_start3A_57] : memref<80x128xi32, #tpu.memory_space<vmem>> -> memref<1x128xi32, #tpu.memory_space<vmem>>
        %dma_start3A_59 = tpu.memref_squeeze %dma_start3A_58 : memref<1x128xi32, #tpu.memory_space<vmem>> -> memref<128xi32, #tpu.memory_space<vmem>>
        %dma_start3A_60 = arith.constant 0 : i32
        %dma_start3A_61 = arith.constant 0 : i32
        %dma_start3A_62 = tpu.memref_slice %arg2[%dma_start3A_60, %dma_start3A_61] : memref<10240x64xf32, #tpu.memory_space<hbm>> -> memref<10240x64xf32, #tpu.memory_space<hbm>>
        tpu.enqueue_indirect_dma source(%dma_start3A_62 : memref<10240x64xf32, #tpu.memory_space<hbm>>) target(%arg10 : memref<128x64xf32, #tpu.memory_space<vmem>>) offsets(%dma_start3A_59 : memref<128xi32, #tpu.memory_space<vmem>>) semaphore(%arg13 : memref<!tpu.dma_semaphore, #tpu.memory_space<semaphore_mem>>)
      } else {
      }
    }
    %scan3A_20 = arith.constant 40 : i32
    %barrier3A_21 = arith.constant 0 : index
    tpu.barrier barrier_id(%barrier3A_21)
    %mul3A_22 = arith.constant 640 : i32
    %mul3A_23 = arith.muli %arg1, %mul3A_22 : i32
    %mul3A_24 = arith.constant 640 : i32
    %mul3A_25 = arith.muli %arg1, %mul3A_24 : i32
    "tpu.region"() ({
      %run_scoped3A = tpu.sem_alloc : memref<!tpu.dma_semaphore, #tpu.memory_space<semaphore_mem>>
      %dma_start3A_26 = arith.constant 0 : i32
      %dma_start3A_27 = tpu.memref_slice %arg6[%arg0, %mul3A_25, %dma_start3A_26] : memref<2x10240x64xf32, #tpu.memory_space<hbm>> -> memref<1x640x64xf32, #tpu.memory_space<hbm>>
      %dma_start3A_28 = tpu.memref_squeeze %dma_start3A_27 : memref<1x640x64xf32, #tpu.memory_space<hbm>> -> memref<640x64xf32, #tpu.memory_space<hbm>>
      %dma_start3A_29 = arith.constant 0 : i32
      %dma_start3A_30 = tpu.memref_slice %arg11[%mul3A_23, %dma_start3A_29] : memref<10240x64xf32, #tpu.memory_space<vmem_shared>> -> memref<640x64xf32, #tpu.memory_space<vmem_shared>>
      tpu.enqueue_dma source(%dma_start3A_30 : memref<640x64xf32, #tpu.memory_space<vmem_shared>>) target(%dma_start3A_28 : memref<640x64xf32, #tpu.memory_space<hbm>>) target_semaphore(%run_scoped3A : memref<!tpu.dma_semaphore, #tpu.memory_space<semaphore_mem>>)
      %dma_wait3A = arith.constant 0 : i32
      %dma_wait3A_31 = tpu.memref_slice %arg6[%arg0, %mul3A_25, %dma_wait3A] : memref<2x10240x64xf32, #tpu.memory_space<hbm>> -> memref<1x640x64xf32, #tpu.memory_space<hbm>>
      %dma_wait3A_32 = tpu.memref_squeeze %dma_wait3A_31 : memref<1x640x64xf32, #tpu.memory_space<hbm>> -> memref<640x64xf32, #tpu.memory_space<hbm>>
      %dma_wait3A_33 = arith.constant 0 : i32
      %dma_wait3A_34 = tpu.memref_slice %arg11[%mul3A_23, %dma_wait3A_33] : memref<10240x64xf32, #tpu.memory_space<vmem_shared>> -> memref<640x64xf32, #tpu.memory_space<vmem_shared>>
      tpu.wait_dma2 semaphore(%run_scoped3A : memref<!tpu.dma_semaphore, #tpu.memory_space<semaphore_mem>>) src(%dma_wait3A_34 : memref<640x64xf32, #tpu.memory_space<vmem_shared>>) dst(%dma_wait3A_32 : memref<640x64xf32, #tpu.memory_space<hbm>>)
      tpu.yield
    }) : () -> ()
    return
  }
}

#map = affine_map<(d0, d1) -> (0, 0)>
#map1 = affine_map<(d0, d1) -> (0, 0, 0)>
module attributes {stable_mosaic.version = 14 : i64} {
  func.func @sc_segsum_d64(%arg0: i32, %arg1: i32, %arg2: memref<10240x64xf32, #tpu.memory_space<hbm>>, %arg3: memref<32x80x128xi32, #tpu.memory_space<hbm>>, %arg4: memref<32x80x128xi32, #tpu.memory_space<hbm>>, %arg5: memref<640x64xf32, #tpu.memory_space<hbm>>, %arg6: memref<2x10240x64xf32, #tpu.memory_space<hbm>>, %arg7: memref<80x128xi32, #tpu.memory_space<vmem>>, %arg8: memref<80x128xi32, #tpu.memory_space<vmem>>, %arg9: memref<128x64xf32, #tpu.memory_space<vmem>>, %arg10: memref<128x64xf32, #tpu.memory_space<vmem>>, %arg11: memref<10240x64xf32, #tpu.memory_space<vmem_shared>>, %arg12: memref<!tpu.dma_semaphore, #tpu.memory_space<semaphore_mem>>, %arg13: memref<!tpu.dma_semaphore, #tpu.memory_space<semaphore_mem>>) attributes {dimension_semantics = [#tpu.dimension_semantics<core_parallel>, #tpu.dimension_semantics<subcore_parallel>], iteration_bounds = array<i64: 2, 16>, scalar_prefetch = 0 : i64, scratch_operands = 7 : i64, tpu.core_type = #tpu.core_type<sc_vector_subcore>, window_params = [{transform_indices = #map}, {transform_indices = #map1}, {transform_indices = #map1}, {transform_indices = #map}, {transform_indices = #map1}]} {
    %mul3A = arith.constant 2 : i32
    %mul3A_0 = arith.muli %arg1, %mul3A : i32
    %add3A = arith.addi %mul3A_0, %arg0 : i32
    "tpu.region"() ({
      %run_scoped3A = tpu.sem_alloc : memref<!tpu.dma_semaphore, #tpu.memory_space<semaphore_mem>>
      %dma_start3A_26 = arith.constant 0 : i32
      %dma_start3A_27 = arith.constant 0 : i32
      %dma_start3A_28 = tpu.memref_slice %arg3[%add3A, %dma_start3A_26, %dma_start3A_27] : memref<32x80x128xi32, #tpu.memory_space<hbm>> -> memref<1x80x128xi32, #tpu.memory_space<hbm>>
      %dma_start3A_29 = tpu.memref_squeeze %dma_start3A_28 : memref<1x80x128xi32, #tpu.memory_space<hbm>> -> memref<80x128xi32, #tpu.memory_space<hbm>>
      %dma_start3A_30 = arith.constant 0 : i32
      %dma_start3A_31 = arith.constant 0 : i32
      %dma_start3A_32 = tpu.memref_slice %arg3[%add3A, %dma_start3A_30, %dma_start3A_31] : memref<32x80x128xi32, #tpu.memory_space<hbm>> -> memref<1x80x128xi32, #tpu.memory_space<hbm>>
      %dma_start3A_33 = tpu.memref_squeeze %dma_start3A_32 : memref<1x80x128xi32, #tpu.memory_space<hbm>> -> memref<80x128xi32, #tpu.memory_space<hbm>>
      tpu.enqueue_dma source(%dma_start3A_33 : memref<80x128xi32, #tpu.memory_space<hbm>>) target(%arg7 : memref<80x128xi32, #tpu.memory_space<vmem>>) target_semaphore(%run_scoped3A : memref<!tpu.dma_semaphore, #tpu.memory_space<semaphore_mem>>)
      %dma_wait3A = arith.constant 0 : i32
      %dma_wait3A_34 = arith.constant 0 : i32
      %dma_wait3A_35 = tpu.memref_slice %arg3[%add3A, %dma_wait3A, %dma_wait3A_34] : memref<32x80x128xi32, #tpu.memory_space<hbm>> -> memref<1x80x128xi32, #tpu.memory_space<hbm>>
      %dma_wait3A_36 = tpu.memref_squeeze %dma_wait3A_35 : memref<1x80x128xi32, #tpu.memory_space<hbm>> -> memref<80x128xi32, #tpu.memory_space<hbm>>
      %dma_wait3A_37 = arith.constant 0 : i32
      %dma_wait3A_38 = arith.constant 0 : i32
      %dma_wait3A_39 = tpu.memref_slice %arg3[%add3A, %dma_wait3A_37, %dma_wait3A_38] : memref<32x80x128xi32, #tpu.memory_space<hbm>> -> memref<1x80x128xi32, #tpu.memory_space<hbm>>
      %dma_wait3A_40 = tpu.memref_squeeze %dma_wait3A_39 : memref<1x80x128xi32, #tpu.memory_space<hbm>> -> memref<80x128xi32, #tpu.memory_space<hbm>>
      tpu.wait_dma2 semaphore(%run_scoped3A : memref<!tpu.dma_semaphore, #tpu.memory_space<semaphore_mem>>) src(%dma_wait3A_40 : memref<80x128xi32, #tpu.memory_space<hbm>>) dst(%arg7 : memref<80x128xi32, #tpu.memory_space<vmem>>)
      tpu.yield
    }) : () -> ()
    "tpu.region"() ({
      %run_scoped3A = tpu.sem_alloc : memref<!tpu.dma_semaphore, #tpu.memory_space<semaphore_mem>>
      %dma_start3A_26 = arith.constant 0 : i32
      %dma_start3A_27 = arith.constant 0 : i32
      %dma_start3A_28 = tpu.memref_slice %arg4[%add3A, %dma_start3A_26, %dma_start3A_27] : memref<32x80x128xi32, #tpu.memory_space<hbm>> -> memref<1x80x128xi32, #tpu.memory_space<hbm>>
      %dma_start3A_29 = tpu.memref_squeeze %dma_start3A_28 : memref<1x80x128xi32, #tpu.memory_space<hbm>> -> memref<80x128xi32, #tpu.memory_space<hbm>>
      %dma_start3A_30 = arith.constant 0 : i32
      %dma_start3A_31 = arith.constant 0 : i32
      %dma_start3A_32 = tpu.memref_slice %arg4[%add3A, %dma_start3A_30, %dma_start3A_31] : memref<32x80x128xi32, #tpu.memory_space<hbm>> -> memref<1x80x128xi32, #tpu.memory_space<hbm>>
      %dma_start3A_33 = tpu.memref_squeeze %dma_start3A_32 : memref<1x80x128xi32, #tpu.memory_space<hbm>> -> memref<80x128xi32, #tpu.memory_space<hbm>>
      tpu.enqueue_dma source(%dma_start3A_33 : memref<80x128xi32, #tpu.memory_space<hbm>>) target(%arg8 : memref<80x128xi32, #tpu.memory_space<vmem>>) target_semaphore(%run_scoped3A : memref<!tpu.dma_semaphore, #tpu.memory_space<semaphore_mem>>)
      %dma_wait3A = arith.constant 0 : i32
      %dma_wait3A_34 = arith.constant 0 : i32
      %dma_wait3A_35 = tpu.memref_slice %arg4[%add3A, %dma_wait3A, %dma_wait3A_34] : memref<32x80x128xi32, #tpu.memory_space<hbm>> -> memref<1x80x128xi32, #tpu.memory_space<hbm>>
      %dma_wait3A_36 = tpu.memref_squeeze %dma_wait3A_35 : memref<1x80x128xi32, #tpu.memory_space<hbm>> -> memref<80x128xi32, #tpu.memory_space<hbm>>
      %dma_wait3A_37 = arith.constant 0 : i32
      %dma_wait3A_38 = arith.constant 0 : i32
      %dma_wait3A_39 = tpu.memref_slice %arg4[%add3A, %dma_wait3A_37, %dma_wait3A_38] : memref<32x80x128xi32, #tpu.memory_space<hbm>> -> memref<1x80x128xi32, #tpu.memory_space<hbm>>
      %dma_wait3A_40 = tpu.memref_squeeze %dma_wait3A_39 : memref<1x80x128xi32, #tpu.memory_space<hbm>> -> memref<80x128xi32, #tpu.memory_space<hbm>>
      tpu.wait_dma2 semaphore(%run_scoped3A : memref<!tpu.dma_semaphore, #tpu.memory_space<semaphore_mem>>) src(%dma_wait3A_40 : memref<80x128xi32, #tpu.memory_space<hbm>>) dst(%arg8 : memref<80x128xi32, #tpu.memory_space<vmem>>)
      tpu.yield
    }) : () -> ()
    %mul3A_1 = arith.constant 640 : i32
    %mul3A_2 = arith.muli %arg1, %mul3A_1 : i32
    "tpu.region"() ({
      %run_scoped3A = tpu.sem_alloc : memref<!tpu.dma_semaphore, #tpu.memory_space<semaphore_mem>>
      %dma_start3A_26 = arith.constant 0 : i32
      %dma_start3A_27 = tpu.memref_slice %arg11[%mul3A_2, %dma_start3A_26] : memref<10240x64xf32, #tpu.memory_space<vmem_shared>> -> memref<640x64xf32, #tpu.memory_space<vmem_shared>>
      tpu.enqueue_dma source(%arg5 : memref<640x64xf32, #tpu.memory_space<hbm>>) target(%dma_start3A_27 : memref<640x64xf32, #tpu.memory_space<vmem_shared>>) target_semaphore(%run_scoped3A : memref<!tpu.dma_semaphore, #tpu.memory_space<semaphore_mem>>)
      %dma_wait3A = arith.constant 0 : i32
      %dma_wait3A_28 = tpu.memref_slice %arg11[%mul3A_2, %dma_wait3A] : memref<10240x64xf32, #tpu.memory_space<vmem_shared>> -> memref<640x64xf32, #tpu.memory_space<vmem_shared>>
      tpu.wait_dma2 semaphore(%run_scoped3A : memref<!tpu.dma_semaphore, #tpu.memory_space<semaphore_mem>>) src(%arg5 : memref<640x64xf32, #tpu.memory_space<hbm>>) dst(%dma_wait3A_28 : memref<640x64xf32, #tpu.memory_space<vmem_shared>>)
      tpu.yield
    }) : () -> ()
    %barrier3A = arith.constant 0 : index
    tpu.barrier barrier_id(%barrier3A)
    %dma_start3A = arith.constant 0 : i32
    %dma_start3A_3 = arith.constant 0 : i32
    %dma_start3A_4 = tpu.memref_slice %arg7[%dma_start3A, %dma_start3A_3] : memref<80x128xi32, #tpu.memory_space<vmem>> -> memref<1x128xi32, #tpu.memory_space<vmem>>
    %dma_start3A_5 = tpu.memref_squeeze %dma_start3A_4 : memref<1x128xi32, #tpu.memory_space<vmem>> -> memref<128xi32, #tpu.memory_space<vmem>>
    %dma_start3A_6 = arith.constant 0 : i32
    %dma_start3A_7 = arith.constant 0 : i32
    %dma_start3A_8 = tpu.memref_slice %arg2[%dma_start3A_6, %dma_start3A_7] : memref<10240x64xf32, #tpu.memory_space<hbm>> -> memref<10240x64xf32, #tpu.memory_space<hbm>>
    tpu.enqueue_indirect_dma source(%dma_start3A_8 : memref<10240x64xf32, #tpu.memory_space<hbm>>) target(%arg9 : memref<128x64xf32, #tpu.memory_space<vmem>>) offsets(%dma_start3A_5 : memref<128xi32, #tpu.memory_space<vmem>>) semaphore(%arg12 : memref<!tpu.dma_semaphore, #tpu.memory_space<semaphore_mem>>)
    %dma_start3A_9 = arith.constant 1 : i32
    %dma_start3A_10 = arith.constant 0 : i32
    %dma_start3A_11 = tpu.memref_slice %arg7[%dma_start3A_9, %dma_start3A_10] : memref<80x128xi32, #tpu.memory_space<vmem>> -> memref<1x128xi32, #tpu.memory_space<vmem>>
    %dma_start3A_12 = tpu.memref_squeeze %dma_start3A_11 : memref<1x128xi32, #tpu.memory_space<vmem>> -> memref<128xi32, #tpu.memory_space<vmem>>
    %dma_start3A_13 = arith.constant 0 : i32
    %dma_start3A_14 = arith.constant 0 : i32
    %dma_start3A_15 = tpu.memref_slice %arg2[%dma_start3A_13, %dma_start3A_14] : memref<10240x64xf32, #tpu.memory_space<hbm>> -> memref<10240x64xf32, #tpu.memory_space<hbm>>
    tpu.enqueue_indirect_dma source(%dma_start3A_15 : memref<10240x64xf32, #tpu.memory_space<hbm>>) target(%arg10 : memref<128x64xf32, #tpu.memory_space<vmem>>) offsets(%dma_start3A_12 : memref<128xi32, #tpu.memory_space<vmem>>) semaphore(%arg13 : memref<!tpu.dma_semaphore, #tpu.memory_space<semaphore_mem>>)
    %scan3A = arith.constant 0 : i32
    %scan3A_16 = arith.constant 0 : i32
    %scan3A_17 = arith.constant 40 : i32
    %scan3A_18 = arith.addi %scan3A_16, %scan3A_17 : i32
    %scan3A_19 = arith.constant 1 : i32
    scf.for %scan3A_26 = %scan3A_16 to %scan3A_18 step %scan3A_19  : i32 {
      %mul3A_27 = arith.constant 2 : i32
      %mul3A_28 = arith.muli %mul3A_27, %scan3A_26 : i32
      %dma_wait3A = arith.constant 0 : i32
      %dma_wait3A_29 = arith.constant 0 : i32
      %dma_wait3A_30 = tpu.memref_slice %arg7[%dma_wait3A, %dma_wait3A_29] : memref<80x128xi32, #tpu.memory_space<vmem>> -> memref<1x128xi32, #tpu.memory_space<vmem>>
      %dma_wait3A_31 = tpu.memref_squeeze %dma_wait3A_30 : memref<1x128xi32, #tpu.memory_space<vmem>> -> memref<128xi32, #tpu.memory_space<vmem>>
      %dma_wait3A_32 = arith.constant 0 : i32
      %dma_wait3A_33 = arith.constant 0 : i32
      %dma_wait3A_34 = tpu.memref_slice %arg2[%dma_wait3A_32, %dma_wait3A_33] : memref<10240x64xf32, #tpu.memory_space<hbm>> -> memref<10240x64xf32, #tpu.memory_space<hbm>>
      tpu.wait_indirect_dma semaphore(%arg12 : memref<!tpu.dma_semaphore, #tpu.memory_space<semaphore_mem>>) src(%dma_wait3A_34 : memref<10240x64xf32, #tpu.memory_space<hbm>>) dst(%arg9 : memref<128x64xf32, #tpu.memory_space<vmem>>)
      "tpu.region"() ({
        %run_scoped3A = tpu.sem_alloc : memref<!tpu.dma_semaphore, #tpu.memory_space<semaphore_mem>>
        %dma_start3A_55 = arith.constant 0 : i32
        %dma_start3A_56 = tpu.memref_slice %arg8[%mul3A_28, %dma_start3A_55] : memref<80x128xi32, #tpu.memory_space<vmem>> -> memref<1x128xi32, #tpu.memory_space<vmem>>
        %dma_start3A_57 = tpu.memref_squeeze %dma_start3A_56 : memref<1x128xi32, #tpu.memory_space<vmem>> -> memref<128xi32, #tpu.memory_space<vmem>>
        %dma_start3A_58 = arith.constant 0 : i32
        %dma_start3A_59 = arith.constant 0 : i32
        %dma_start3A_60 = tpu.memref_slice %arg11[%dma_start3A_58, %dma_start3A_59] : memref<10240x64xf32, #tpu.memory_space<vmem_shared>> -> memref<10240x64xf32, #tpu.memory_space<vmem_shared>>
        tpu.enqueue_indirect_dma source(%arg9 : memref<128x64xf32, #tpu.memory_space<vmem>>) target(%dma_start3A_60 : memref<10240x64xf32, #tpu.memory_space<vmem_shared>>) offsets(%dma_start3A_57 : memref<128xi32, #tpu.memory_space<vmem>>) semaphore(%run_scoped3A : memref<!tpu.dma_semaphore, #tpu.memory_space<semaphore_mem>>) {add = true}
        %dma_wait3A_61 = arith.constant 0 : i32
        %dma_wait3A_62 = tpu.memref_slice %arg8[%mul3A_28, %dma_wait3A_61] : memref<80x128xi32, #tpu.memory_space<vmem>> -> memref<1x128xi32, #tpu.memory_space<vmem>>
        %dma_wait3A_63 = tpu.memref_squeeze %dma_wait3A_62 : memref<1x128xi32, #tpu.memory_space<vmem>> -> memref<128xi32, #tpu.memory_space<vmem>>
        %dma_wait3A_64 = arith.constant 0 : i32
        %dma_wait3A_65 = arith.constant 0 : i32
        %dma_wait3A_66 = tpu.memref_slice %arg11[%dma_wait3A_64, %dma_wait3A_65] : memref<10240x64xf32, #tpu.memory_space<vmem_shared>> -> memref<10240x64xf32, #tpu.memory_space<vmem_shared>>
        tpu.wait_indirect_dma semaphore(%run_scoped3A : memref<!tpu.dma_semaphore, #tpu.memory_space<semaphore_mem>>) src(%arg9 : memref<128x64xf32, #tpu.memory_space<vmem>>) dst(%dma_wait3A_66 : memref<10240x64xf32, #tpu.memory_space<vmem_shared>>)
        tpu.yield
      }) : () -> ()
      %add3A_35 = arith.constant 2 : i32
      %add3A_36 = arith.addi %mul3A_28, %add3A_35 : i32
      %lt3A = arith.constant 80 : i32
      %lt3A_37 = arith.cmpi slt, %add3A_36, %lt3A : i32
      %convert_element_type3A = arith.extui %lt3A_37 : i1 to i32
      %cond3A = arith.constant 0 : i32
      %cond3A_38 = arith.cmpi ne, %convert_element_type3A, %cond3A : i32
      scf.if %cond3A_38 {
        %add3A_55 = arith.constant 2 : i32
        %add3A_56 = arith.addi %mul3A_28, %add3A_55 : i32
        %dma_start3A_57 = arith.constant 0 : i32
        %dma_start3A_58 = tpu.memref_slice %arg7[%add3A_56, %dma_start3A_57] : memref<80x128xi32, #tpu.memory_space<vmem>> -> memref<1x128xi32, #tpu.memory_space<vmem>>
        %dma_start3A_59 = tpu.memref_squeeze %dma_start3A_58 : memref<1x128xi32, #tpu.memory_space<vmem>> -> memref<128xi32, #tpu.memory_space<vmem>>
        %dma_start3A_60 = arith.constant 0 : i32
        %dma_start3A_61 = arith.constant 0 : i32
        %dma_start3A_62 = tpu.memref_slice %arg2[%dma_start3A_60, %dma_start3A_61] : memref<10240x64xf32, #tpu.memory_space<hbm>> -> memref<10240x64xf32, #tpu.memory_space<hbm>>
        tpu.enqueue_indirect_dma source(%dma_start3A_62 : memref<10240x64xf32, #tpu.memory_space<hbm>>) target(%arg9 : memref<128x64xf32, #tpu.memory_space<vmem>>) offsets(%dma_start3A_59 : memref<128xi32, #tpu.memory_space<vmem>>) semaphore(%arg12 : memref<!tpu.dma_semaphore, #tpu.memory_space<semaphore_mem>>)
      } else {
      }
      %add3A_39 = arith.constant 1 : i32
      %add3A_40 = arith.addi %mul3A_28, %add3A_39 : i32
      %dma_wait3A_41 = arith.constant 0 : i32
      %dma_wait3A_42 = arith.constant 0 : i32
      %dma_wait3A_43 = tpu.memref_slice %arg7[%dma_wait3A_41, %dma_wait3A_42] : memref<80x128xi32, #tpu.memory_space<vmem>> -> memref<1x128xi32, #tpu.memory_space<vmem>>
      %dma_wait3A_44 = tpu.memref_squeeze %dma_wait3A_43 : memref<1x128xi32, #tpu.memory_space<vmem>> -> memref<128xi32, #tpu.memory_space<vmem>>
      %dma_wait3A_45 = arith.constant 0 : i32
      %dma_wait3A_46 = arith.constant 0 : i32
      %dma_wait3A_47 = tpu.memref_slice %arg2[%dma_wait3A_45, %dma_wait3A_46] : memref<10240x64xf32, #tpu.memory_space<hbm>> -> memref<10240x64xf32, #tpu.memory_space<hbm>>
      tpu.wait_indirect_dma semaphore(%arg13 : memref<!tpu.dma_semaphore, #tpu.memory_space<semaphore_mem>>) src(%dma_wait3A_47 : memref<10240x64xf32, #tpu.memory_space<hbm>>) dst(%arg10 : memref<128x64xf32, #tpu.memory_space<vmem>>)
      "tpu.region"() ({
        %run_scoped3A = tpu.sem_alloc : memref<!tpu.dma_semaphore, #tpu.memory_space<semaphore_mem>>
        %dma_start3A_55 = arith.constant 0 : i32
        %dma_start3A_56 = tpu.memref_slice %arg8[%add3A_40, %dma_start3A_55] : memref<80x128xi32, #tpu.memory_space<vmem>> -> memref<1x128xi32, #tpu.memory_space<vmem>>
        %dma_start3A_57 = tpu.memref_squeeze %dma_start3A_56 : memref<1x128xi32, #tpu.memory_space<vmem>> -> memref<128xi32, #tpu.memory_space<vmem>>
        %dma_start3A_58 = arith.constant 0 : i32
        %dma_start3A_59 = arith.constant 0 : i32
        %dma_start3A_60 = tpu.memref_slice %arg11[%dma_start3A_58, %dma_start3A_59] : memref<10240x64xf32, #tpu.memory_space<vmem_shared>> -> memref<10240x64xf32, #tpu.memory_space<vmem_shared>>
        tpu.enqueue_indirect_dma source(%arg10 : memref<128x64xf32, #tpu.memory_space<vmem>>) target(%dma_start3A_60 : memref<10240x64xf32, #tpu.memory_space<vmem_shared>>) offsets(%dma_start3A_57 : memref<128xi32, #tpu.memory_space<vmem>>) semaphore(%run_scoped3A : memref<!tpu.dma_semaphore, #tpu.memory_space<semaphore_mem>>) {add = true}
        %dma_wait3A_61 = arith.constant 0 : i32
        %dma_wait3A_62 = tpu.memref_slice %arg8[%add3A_40, %dma_wait3A_61] : memref<80x128xi32, #tpu.memory_space<vmem>> -> memref<1x128xi32, #tpu.memory_space<vmem>>
        %dma_wait3A_63 = tpu.memref_squeeze %dma_wait3A_62 : memref<1x128xi32, #tpu.memory_space<vmem>> -> memref<128xi32, #tpu.memory_space<vmem>>
        %dma_wait3A_64 = arith.constant 0 : i32
        %dma_wait3A_65 = arith.constant 0 : i32
        %dma_wait3A_66 = tpu.memref_slice %arg11[%dma_wait3A_64, %dma_wait3A_65] : memref<10240x64xf32, #tpu.memory_space<vmem_shared>> -> memref<10240x64xf32, #tpu.memory_space<vmem_shared>>
        tpu.wait_indirect_dma semaphore(%run_scoped3A : memref<!tpu.dma_semaphore, #tpu.memory_space<semaphore_mem>>) src(%arg10 : memref<128x64xf32, #tpu.memory_space<vmem>>) dst(%dma_wait3A_66 : memref<10240x64xf32, #tpu.memory_space<vmem_shared>>)
        tpu.yield
      }) : () -> ()
      %add3A_48 = arith.constant 2 : i32
      %add3A_49 = arith.addi %add3A_40, %add3A_48 : i32
      %lt3A_50 = arith.constant 80 : i32
      %lt3A_51 = arith.cmpi slt, %add3A_49, %lt3A_50 : i32
      %convert_element_type3A_52 = arith.extui %lt3A_51 : i1 to i32
      %cond3A_53 = arith.constant 0 : i32
      %cond3A_54 = arith.cmpi ne, %convert_element_type3A_52, %cond3A_53 : i32
      scf.if %cond3A_54 {
        %add3A_55 = arith.constant 2 : i32
        %add3A_56 = arith.addi %add3A_40, %add3A_55 : i32
        %dma_start3A_57 = arith.constant 0 : i32
        %dma_start3A_58 = tpu.memref_slice %arg7[%add3A_56, %dma_start3A_57] : memref<80x128xi32, #tpu.memory_space<vmem>> -> memref<1x128xi32, #tpu.memory_space<vmem>>
        %dma_start3A_59 = tpu.memref_squeeze %dma_start3A_58 : memref<1x128xi32, #tpu.memory_space<vmem>> -> memref<128xi32, #tpu.memory_space<vmem>>
        %dma_start3A_60 = arith.constant 0 : i32
        %dma_start3A_61 = arith.constant 0 : i32
        %dma_start3A_62 = tpu.memref_slice %arg2[%dma_start3A_60, %dma_start3A_61] : memref<10240x64xf32, #tpu.memory_space<hbm>> -> memref<10240x64xf32, #tpu.memory_space<hbm>>
        tpu.enqueue_indirect_dma source(%dma_start3A_62 : memref<10240x64xf32, #tpu.memory_space<hbm>>) target(%arg10 : memref<128x64xf32, #tpu.memory_space<vmem>>) offsets(%dma_start3A_59 : memref<128xi32, #tpu.memory_space<vmem>>) semaphore(%arg13 : memref<!tpu.dma_semaphore, #tpu.memory_space<semaphore_mem>>)
      } else {
      }
    }
    %scan3A_20 = arith.constant 40 : i32
    %barrier3A_21 = arith.constant 0 : index
    tpu.barrier barrier_id(%barrier3A_21)
    %mul3A_22 = arith.constant 640 : i32
    %mul3A_23 = arith.muli %arg1, %mul3A_22 : i32
    %mul3A_24 = arith.constant 640 : i32
    %mul3A_25 = arith.muli %arg1, %mul3A_24 : i32
    "tpu.region"() ({
      %run_scoped3A = tpu.sem_alloc : memref<!tpu.dma_semaphore, #tpu.memory_space<semaphore_mem>>
      %dma_start3A_26 = arith.constant 0 : i32
      %dma_start3A_27 = tpu.memref_slice %arg6[%arg0, %mul3A_25, %dma_start3A_26] : memref<2x10240x64xf32, #tpu.memory_space<hbm>> -> memref<1x640x64xf32, #tpu.memory_space<hbm>>
      %dma_start3A_28 = tpu.memref_squeeze %dma_start3A_27 : memref<1x640x64xf32, #tpu.memory_space<hbm>> -> memref<640x64xf32, #tpu.memory_space<hbm>>
      %dma_start3A_29 = arith.constant 0 : i32
      %dma_start3A_30 = tpu.memref_slice %arg11[%mul3A_23, %dma_start3A_29] : memref<10240x64xf32, #tpu.memory_space<vmem_shared>> -> memref<640x64xf32, #tpu.memory_space<vmem_shared>>
      tpu.enqueue_dma source(%dma_start3A_30 : memref<640x64xf32, #tpu.memory_space<vmem_shared>>) target(%dma_start3A_28 : memref<640x64xf32, #tpu.memory_space<hbm>>) target_semaphore(%run_scoped3A : memref<!tpu.dma_semaphore, #tpu.memory_space<semaphore_mem>>)
      %dma_wait3A = arith.constant 0 : i32
      %dma_wait3A_31 = tpu.memref_slice %arg6[%arg0, %mul3A_25, %dma_wait3A] : memref<2x10240x64xf32, #tpu.memory_space<hbm>> -> memref<1x640x64xf32, #tpu.memory_space<hbm>>
      %dma_wait3A_32 = tpu.memref_squeeze %dma_wait3A_31 : memref<1x640x64xf32, #tpu.memory_space<hbm>> -> memref<640x64xf32, #tpu.memory_space<hbm>>
      %dma_wait3A_33 = arith.constant 0 : i32
      %dma_wait3A_34 = tpu.memref_slice %arg11[%mul3A_23, %dma_wait3A_33] : memref<10240x64xf32, #tpu.memory_space<vmem_shared>> -> memref<640x64xf32, #tpu.memory_space<vmem_shared>>
      tpu.wait_dma2 semaphore(%run_scoped3A : memref<!tpu.dma_semaphore, #tpu.memory_space<semaphore_mem>>) src(%dma_wait3A_34 : memref<640x64xf32, #tpu.memory_space<vmem_shared>>) dst(%dma_wait3A_32 : memref<640x64xf32, #tpu.memory_space<hbm>>)
      tpu.yield
    }) : () -> ()
    return
  }
}

module attributes {stable_mosaic.version = 14 : i64} {
  func.func @_combine_body(%arg0: i32, %arg1: memref<1280x128xf32, #tpu.memory_space<vmem>>, %arg2: memref<2x1280x64xf32, #tpu.memory_space<vmem>>, %arg3: memref<2x1280x64xf32, #tpu.memory_space<vmem>>, %arg4: memref<2x1280x8xf32, #tpu.memory_space<vmem>>, %arg5: memref<128x128xf32, #tpu.memory_space<vmem>>, %arg6: memref<1x128xf32, #tpu.memory_space<vmem>>, %arg7: memref<128x128xf32, #tpu.memory_space<vmem>>, %arg8: memref<64x128xf32, #tpu.memory_space<vmem>>, %arg9: memref<64x128xf32, #tpu.memory_space<vmem>>, %arg10: memref<1280x64xf32, #tpu.memory_space<vmem>>, %arg11: memref<1280x64xf32, #tpu.memory_space<vmem>>) attributes {dimension_semantics = [#tpu.dimension_semantics<arbitrary>], iteration_bounds = array<i64: 8>, scalar_prefetch = 0 : i64, scratch_operands = 0 : i64, tpu.core_type = #tpu.core_type<tc>, window_params = [{transform_indices = @transform_0, window_bounds = array<i64: 1280, 128>}, {transform_indices = @transform_1, window_bounds = array<i64: 2, 1280, 64>}, {transform_indices = @transform_2, window_bounds = array<i64: 2, 1280, 64>}, {transform_indices = @transform_3, window_bounds = array<i64: 2, 1280, 8>}, {pipeline_mode = #tpu.pipeline_mode<synchronous>, transform_indices = @transform_4, window_bounds = array<i64: 128, 128>}, {pipeline_mode = #tpu.pipeline_mode<synchronous>, transform_indices = @transform_5, window_bounds = array<i64: 1, 128>}, {pipeline_mode = #tpu.pipeline_mode<synchronous>, transform_indices = @transform_6, window_bounds = array<i64: 128, 128>}, {pipeline_mode = #tpu.pipeline_mode<synchronous>, transform_indices = @transform_7, window_bounds = array<i64: 64, 128>}, {pipeline_mode = #tpu.pipeline_mode<synchronous>, transform_indices = @transform_8, window_bounds = array<i64: 64, 128>}, {transform_indices = @transform_9, window_bounds = array<i64: 1280, 64>}, {transform_indices = @transform_10, window_bounds = array<i64: 1280, 64>}]} {
    %get3A = arith.constant 0 : index
    %get3A_0 = arith.constant 0 : index
    %get3A_1 = arith.constant 0 : index
    %get3A_2 = vector.load %arg4[%get3A, %get3A_0, %get3A_1] : memref<2x1280x8xf32, #tpu.memory_space<vmem>>, vector<1x1280x1xf32>
    %get3A_3 = vector.shape_cast %get3A_2 : vector<1x1280x1xf32> to vector<1280x1xf32>
    %get3A_4 = arith.constant 1 : index
    %get3A_5 = arith.constant 0 : index
    %get3A_6 = arith.constant 0 : index
    %get3A_7 = vector.load %arg4[%get3A_4, %get3A_5, %get3A_6] : memref<2x1280x8xf32, #tpu.memory_space<vmem>>, vector<1x1280x1xf32>
    %get3A_8 = vector.shape_cast %get3A_7 : vector<1x1280x1xf32> to vector<1280x1xf32>
    %add3A = arith.addf %get3A_3, %get3A_8 : vector<1280x1xf32>
    %max3A = arith.constant 1.000000e+00 : f32
    %max3A_9 = vector.broadcast %max3A : f32 to vector<1280x1xf32>
    %max3A_10 = arith.maximumf %add3A, %max3A_9 : vector<1280x1xf32>
    %div3A = arith.constant 1.000000e+00 : f32
    %div3A_11 = vector.broadcast %div3A : f32 to vector<1280x1xf32>
    %div3A_12 = arith.divf %div3A_11, %max3A_10 : vector<1280x1xf32>
    %get3A_13 = arith.constant 0 : index
    %get3A_14 = arith.constant 0 : index
    %get3A_15 = arith.constant 0 : index
    %get3A_16 = vector.load %arg2[%get3A_13, %get3A_14, %get3A_15] : memref<2x1280x64xf32, #tpu.memory_space<vmem>>, vector<1x1280x64xf32>
    %get3A_17 = vector.shape_cast %get3A_16 : vector<1x1280x64xf32> to vector<1280x64xf32>
    %get3A_18 = arith.constant 1 : index
    %get3A_19 = arith.constant 0 : index
    %get3A_20 = arith.constant 0 : index
    %get3A_21 = vector.load %arg2[%get3A_18, %get3A_19, %get3A_20] : memref<2x1280x64xf32, #tpu.memory_space<vmem>>, vector<1x1280x64xf32>
    %get3A_22 = vector.shape_cast %get3A_21 : vector<1x1280x64xf32> to vector<1280x64xf32>
    %add3A_23 = arith.addf %get3A_17, %get3A_22 : vector<1280x64xf32>
    %mul3A = vector.broadcast %div3A_12 : vector<1280x1xf32> to vector<1280x64xf32>
    %mul3A_24 = arith.mulf %add3A_23, %mul3A : vector<1280x64xf32>
    %get3A_25 = arith.constant 0 : index
    %get3A_26 = arith.constant 0 : index
    %get3A_27 = arith.constant 0 : index
    %get3A_28 = vector.load %arg3[%get3A_25, %get3A_26, %get3A_27] : memref<2x1280x64xf32, #tpu.memory_space<vmem>>, vector<1x1280x64xf32>
    %get3A_29 = vector.shape_cast %get3A_28 : vector<1x1280x64xf32> to vector<1280x64xf32>
    %get3A_30 = arith.constant 1 : index
    %get3A_31 = arith.constant 0 : index
    %get3A_32 = arith.constant 0 : index
    %get3A_33 = vector.load %arg3[%get3A_30, %get3A_31, %get3A_32] : memref<2x1280x64xf32, #tpu.memory_space<vmem>>, vector<1x1280x64xf32>
    %get3A_34 = vector.shape_cast %get3A_33 : vector<1x1280x64xf32> to vector<1280x64xf32>
    %add3A_35 = arith.addf %get3A_29, %get3A_34 : vector<1280x64xf32>
    %mul3A_36 = vector.broadcast %div3A_12 : vector<1280x1xf32> to vector<1280x64xf32>
    %mul3A_37 = arith.mulf %add3A_35, %mul3A_36 : vector<1280x64xf32>
    %get3A_38 = arith.constant 0 : index
    %get3A_39 = arith.constant 0 : index
    %get3A_40 = vector.load %arg5[%get3A_38, %get3A_39] : memref<128x128xf32, #tpu.memory_space<vmem>>, vector<128x128xf32>
    %slice3A = vector.extract_strided_slice %get3A_40 {offsets = [0, 0], sizes = [128, 64], strides = [1, 1]} : vector<128x128xf32> to vector<128x64xf32>
    %dot_general3A = arith.constant dense<0.000000e+00> : vector<1280x128xf32>
    %dot_general3A_41 = tpu.matmul %mul3A_24, %slice3A, %dot_general3A {dimension_numbers = #tpu.dot_dimension_numbers<[1], [1], [0], [0], [0, 0, 1, 0], [], []>, transpose_lhs_hint = false} : vector<1280x64xf32>, vector<128x64xf32>, vector<1280x128xf32> -> vector<1280x128xf32>
    %slice3A_42 = vector.extract_strided_slice %get3A_40 {offsets = [0, 64], sizes = [128, 64], strides = [1, 1]} : vector<128x128xf32> to vector<128x64xf32>
    %dot_general3A_43 = arith.constant dense<0.000000e+00> : vector<1280x128xf32>
    %dot_general3A_44 = tpu.matmul %mul3A_37, %slice3A_42, %dot_general3A_43 {dimension_numbers = #tpu.dot_dimension_numbers<[1], [1], [0], [0], [0, 0, 1, 0], [], []>, transpose_lhs_hint = false} : vector<1280x64xf32>, vector<128x64xf32>, vector<1280x128xf32> -> vector<1280x128xf32>
    %add3A_45 = arith.addf %dot_general3A_41, %dot_general3A_44 : vector<1280x128xf32>
    %get3A_46 = arith.constant 0 : index
    %get3A_47 = arith.constant 0 : index
    %get3A_48 = vector.load %arg6[%get3A_46, %get3A_47] : memref<1x128xf32, #tpu.memory_space<vmem>>, vector<1x128xf32>
    %add3A_49 = vector.broadcast %get3A_48 : vector<1x128xf32> to vector<1280x128xf32>
    %add3A_50 = arith.addf %add3A_45, %add3A_49 : vector<1280x128xf32>
    %get3A_51 = arith.constant 0 : index
    %get3A_52 = arith.constant 0 : index
    %get3A_53 = vector.load %arg1[%get3A_51, %get3A_52] : memref<1280x128xf32, #tpu.memory_space<vmem>>, vector<1280x128xf32>
    %get3A_54 = arith.constant 0 : index
    %get3A_55 = arith.constant 0 : index
    %get3A_56 = vector.load %arg7[%get3A_54, %get3A_55] : memref<128x128xf32, #tpu.memory_space<vmem>>, vector<128x128xf32>
    %dot_general3A_57 = arith.constant dense<0.000000e+00> : vector<1280x128xf32>
    %dot_general3A_58 = tpu.matmul %get3A_53, %get3A_56, %dot_general3A_57 {dimension_numbers = #tpu.dot_dimension_numbers<[1], [1], [0], [0], [0, 0, 1, 0], [], []>, transpose_lhs_hint = false} : vector<1280x128xf32>, vector<128x128xf32>, vector<1280x128xf32> -> vector<1280x128xf32>
    %add3A_59 = arith.addf %add3A_50, %dot_general3A_58 : vector<1280x128xf32>
    %max3A_60 = arith.constant 0.000000e+00 : f32
    %max3A_61 = vector.broadcast %max3A_60 : f32 to vector<1280x128xf32>
    %max3A_62 = arith.maximumf %add3A_59, %max3A_61 : vector<1280x128xf32>
    %get3A_63 = arith.constant 0 : index
    %get3A_64 = arith.constant 0 : index
    %get3A_65 = vector.load %arg8[%get3A_63, %get3A_64] : memref<64x128xf32, #tpu.memory_space<vmem>>, vector<64x128xf32>
    %dot_general3A_66 = arith.constant dense<0.000000e+00> : vector<1280x64xf32>
    %dot_general3A_67 = tpu.matmul %max3A_62, %get3A_65, %dot_general3A_66 {dimension_numbers = #tpu.dot_dimension_numbers<[1], [1], [0], [0], [0, 0, 1, 0], [], []>, transpose_lhs_hint = false} : vector<1280x128xf32>, vector<64x128xf32>, vector<1280x64xf32> -> vector<1280x64xf32>
    %swap3A = arith.constant 0 : index
    %swap3A_68 = arith.constant 0 : index
    %swap3A_69 = vector.load %arg10[%swap3A, %swap3A_68] : memref<1280x64xf32, #tpu.memory_space<vmem>>, vector<1280x64xf32>
    tpu.vector_store %arg10[%swap3A, %swap3A_68], %dot_general3A_67 {strides = array<i32>} : memref<1280x64xf32, #tpu.memory_space<vmem>>, vector<1280x64xf32>,
    %get3A_70 = arith.constant 0 : index
    %get3A_71 = arith.constant 0 : index
    %get3A_72 = vector.load %arg9[%get3A_70, %get3A_71] : memref<64x128xf32, #tpu.memory_space<vmem>>, vector<64x128xf32>
    %dot_general3A_73 = arith.constant dense<0.000000e+00> : vector<1280x64xf32>
    %dot_general3A_74 = tpu.matmul %max3A_62, %get3A_72, %dot_general3A_73 {dimension_numbers = #tpu.dot_dimension_numbers<[1], [1], [0], [0], [0, 0, 1, 0], [], []>, transpose_lhs_hint = false} : vector<1280x128xf32>, vector<64x128xf32>, vector<1280x64xf32> -> vector<1280x64xf32>
    %swap3A_75 = arith.constant 0 : index
    %swap3A_76 = arith.constant 0 : index
    %swap3A_77 = vector.load %arg11[%swap3A_75, %swap3A_76] : memref<1280x64xf32, #tpu.memory_space<vmem>>, vector<1280x64xf32>
    tpu.vector_store %arg11[%swap3A_75, %swap3A_76], %dot_general3A_74 {strides = array<i32>} : memref<1280x64xf32, #tpu.memory_space<vmem>>, vector<1280x64xf32>,
    return
  }
  func.func @transform_0(%arg0: i32) -> (i32, i32) {
    %c0_i32 = arith.constant 0 : i32
    %c0_i32_0 = arith.constant 0 : i32
    return %arg0, %c0_i32 : i32, i32
  }
  func.func @transform_1(%arg0: i32) -> (i32, i32, i32) {
    %c0_i32 = arith.constant 0 : i32
    %c0_i32_0 = arith.constant 0 : i32
    %c0_i32_1 = arith.constant 0 : i32
    return %c0_i32, %arg0, %c0_i32_0 : i32, i32, i32
  }
  func.func @transform_2(%arg0: i32) -> (i32, i32, i32) {
    %c0_i32 = arith.constant 0 : i32
    %c0_i32_0 = arith.constant 0 : i32
    %c0_i32_1 = arith.constant 0 : i32
    return %c0_i32, %arg0, %c0_i32_0 : i32, i32, i32
  }
  func.func @transform_3(%arg0: i32) -> (i32, i32, i32) {
    %c0_i32 = arith.constant 0 : i32
    %c0_i32_0 = arith.constant 0 : i32
    %c0_i32_1 = arith.constant 0 : i32
    return %c0_i32, %arg0, %c0_i32_0 : i32, i32, i32
  }
  func.func @transform_4(%arg0: i32) -> (i32, i32) {
    %c0_i32 = arith.constant 0 : i32
    %c0_i32_0 = arith.constant 0 : i32
    %c0_i32_1 = arith.constant 0 : i32
    return %c0_i32, %c0_i32_0 : i32, i32
  }
  func.func @transform_5(%arg0: i32) -> (i32, i32) {
    %c0_i32 = arith.constant 0 : i32
    %c0_i32_0 = arith.constant 0 : i32
    %c0_i32_1 = arith.constant 0 : i32
    return %c0_i32, %c0_i32_0 : i32, i32
  }
  func.func @transform_6(%arg0: i32) -> (i32, i32) {
    %c0_i32 = arith.constant 0 : i32
    %c0_i32_0 = arith.constant 0 : i32
    %c0_i32_1 = arith.constant 0 : i32
    return %c0_i32, %c0_i32_0 : i32, i32
  }
  func.func @transform_7(%arg0: i32) -> (i32, i32) {
    %c0_i32 = arith.constant 0 : i32
    %c0_i32_0 = arith.constant 0 : i32
    %c0_i32_1 = arith.constant 0 : i32
    return %c0_i32, %c0_i32_0 : i32, i32
  }
  func.func @transform_8(%arg0: i32) -> (i32, i32) {
    %c0_i32 = arith.constant 0 : i32
    %c0_i32_0 = arith.constant 0 : i32
    %c0_i32_1 = arith.constant 0 : i32
    return %c0_i32, %c0_i32_0 : i32, i32
  }
  func.func @transform_9(%arg0: i32) -> (i32, i32) {
    %c0_i32 = arith.constant 0 : i32
    %c0_i32_0 = arith.constant 0 : i32
    return %arg0, %c0_i32 : i32, i32
  }
  func.func @transform_10(%arg0: i32) -> (i32, i32) {
    %c0_i32 = arith.constant 0 : i32
    %c0_i32_0 = arith.constant 0 : i32
    return %arg0, %c0_i32 : i32, i32
  }
}

module attributes {stable_mosaic.version = 14 : i64} {
  func.func @_final_body(%arg0: i32, %arg1: memref<2x1280x64xf32, #tpu.memory_space<vmem>>, %arg2: memref<1280x64xf32, #tpu.memory_space<vmem>>, %arg3: memref<2x1280x8xf32, #tpu.memory_space<vmem>>, %arg4: memref<1x64xf32, #tpu.memory_space<vmem>>, %arg5: memref<1280x64xf32, #tpu.memory_space<vmem>>) attributes {dimension_semantics = [#tpu.dimension_semantics<arbitrary>], iteration_bounds = array<i64: 8>, scalar_prefetch = 0 : i64, scratch_operands = 0 : i64, tpu.core_type = #tpu.core_type<tc>, window_params = [{transform_indices = @transform_0, window_bounds = array<i64: 2, 1280, 64>}, {transform_indices = @transform_1, window_bounds = array<i64: 1280, 64>}, {transform_indices = @transform_2, window_bounds = array<i64: 2, 1280, 8>}, {pipeline_mode = #tpu.pipeline_mode<synchronous>, transform_indices = @transform_3, window_bounds = array<i64: 1, 64>}, {transform_indices = @transform_4, window_bounds = array<i64: 1280, 64>}]} {
    %get3A = arith.constant 0 : index
    %get3A_0 = arith.constant 0 : index
    %get3A_1 = arith.constant 0 : index
    %get3A_2 = vector.load %arg3[%get3A, %get3A_0, %get3A_1] : memref<2x1280x8xf32, #tpu.memory_space<vmem>>, vector<1x1280x1xf32>
    %get3A_3 = vector.shape_cast %get3A_2 : vector<1x1280x1xf32> to vector<1280x1xf32>
    %get3A_4 = arith.constant 1 : index
    %get3A_5 = arith.constant 0 : index
    %get3A_6 = arith.constant 0 : index
    %get3A_7 = vector.load %arg3[%get3A_4, %get3A_5, %get3A_6] : memref<2x1280x8xf32, #tpu.memory_space<vmem>>, vector<1x1280x1xf32>
    %get3A_8 = vector.shape_cast %get3A_7 : vector<1x1280x1xf32> to vector<1280x1xf32>
    %add3A = arith.addf %get3A_3, %get3A_8 : vector<1280x1xf32>
    %get3A_9 = arith.constant 0 : index
    %get3A_10 = arith.constant 0 : index
    %get3A_11 = arith.constant 0 : index
    %get3A_12 = vector.load %arg1[%get3A_9, %get3A_10, %get3A_11] : memref<2x1280x64xf32, #tpu.memory_space<vmem>>, vector<1x1280x64xf32>
    %get3A_13 = vector.shape_cast %get3A_12 : vector<1x1280x64xf32> to vector<1280x64xf32>
    %get3A_14 = arith.constant 1 : index
    %get3A_15 = arith.constant 0 : index
    %get3A_16 = arith.constant 0 : index
    %get3A_17 = vector.load %arg1[%get3A_14, %get3A_15, %get3A_16] : memref<2x1280x64xf32, #tpu.memory_space<vmem>>, vector<1x1280x64xf32>
    %get3A_18 = vector.shape_cast %get3A_17 : vector<1x1280x64xf32> to vector<1280x64xf32>
    %add3A_19 = arith.addf %get3A_13, %get3A_18 : vector<1280x64xf32>
    %max3A = arith.constant 1.000000e+00 : f32
    %max3A_20 = vector.broadcast %max3A : f32 to vector<1280x1xf32>
    %max3A_21 = arith.maximumf %add3A, %max3A_20 : vector<1280x1xf32>
    %div3A = vector.broadcast %max3A_21 : vector<1280x1xf32> to vector<1280x64xf32>
    %div3A_22 = arith.divf %add3A_19, %div3A : vector<1280x64xf32>
    %get3A_23 = arith.constant 0 : index
    %get3A_24 = arith.constant 0 : index
    %get3A_25 = vector.load %arg4[%get3A_23, %get3A_24] : memref<1x64xf32, #tpu.memory_space<vmem>>, vector<1x64xf32>
    %add3A_26 = vector.broadcast %get3A_25 : vector<1x64xf32> to vector<1280x64xf32>
    %add3A_27 = arith.addf %div3A_22, %add3A_26 : vector<1280x64xf32>
    %get3A_28 = arith.constant 0 : index
    %get3A_29 = arith.constant 0 : index
    %get3A_30 = vector.load %arg2[%get3A_28, %get3A_29] : memref<1280x64xf32, #tpu.memory_space<vmem>>, vector<1280x64xf32>
    %add3A_31 = arith.addf %add3A_27, %get3A_30 : vector<1280x64xf32>
    %reduce_max3A = arith.constant dense<0xFF800000> : vector<1280xf32>
    %reduce_max3A_32 = vector.multi_reduction <maximumf>, %add3A_31, %reduce_max3A [1] : vector<1280x64xf32> to vector<1280xf32>
    %broadcast_in_dim3A = vector.shape_cast %reduce_max3A_32 : vector<1280xf32> to vector<1280x1xf32>
    %sub3A = vector.broadcast %broadcast_in_dim3A : vector<1280x1xf32> to vector<1280x64xf32>
    %sub3A_33 = arith.subf %add3A_31, %sub3A : vector<1280x64xf32>
    %exp3A = math.exp %sub3A_33 : vector<1280x64xf32>
    %reduce_sum3A = arith.constant dense<0.000000e+00> : vector<1280xf32>
    %reduce_sum3A_34 = vector.multi_reduction <add>, %exp3A, %reduce_sum3A [1] : vector<1280x64xf32> to vector<1280xf32>
    %broadcast_in_dim3A_35 = vector.shape_cast %reduce_sum3A_34 : vector<1280xf32> to vector<1280x1xf32>
    %log3A = math.log %broadcast_in_dim3A_35 : vector<1280x1xf32>
    %add3A_36 = arith.addf %log3A, %broadcast_in_dim3A : vector<1280x1xf32>
    %sub3A_37 = vector.broadcast %add3A_36 : vector<1280x1xf32> to vector<1280x64xf32>
    %sub3A_38 = arith.subf %add3A_31, %sub3A_37 : vector<1280x64xf32>
    %swap3A = arith.constant 0 : index
    %swap3A_39 = arith.constant 0 : index
    %swap3A_40 = vector.load %arg5[%swap3A, %swap3A_39] : memref<1280x64xf32, #tpu.memory_space<vmem>>, vector<1280x64xf32>
    tpu.vector_store %arg5[%swap3A, %swap3A_39], %sub3A_38 {strides = array<i32>} : memref<1280x64xf32, #tpu.memory_space<vmem>>, vector<1280x64xf32>,
    return
  }
  func.func @transform_0(%arg0: i32) -> (i32, i32, i32) {
    %c0_i32 = arith.constant 0 : i32
    %c0_i32_0 = arith.constant 0 : i32
    %c0_i32_1 = arith.constant 0 : i32
    return %c0_i32, %arg0, %c0_i32_0 : i32, i32, i32
  }
  func.func @transform_1(%arg0: i32) -> (i32, i32) {
    %c0_i32 = arith.constant 0 : i32
    %c0_i32_0 = arith.constant 0 : i32
    return %arg0, %c0_i32 : i32, i32
  }
  func.func @transform_2(%arg0: i32) -> (i32, i32, i32) {
    %c0_i32 = arith.constant 0 : i32
    %c0_i32_0 = arith.constant 0 : i32
    %c0_i32_1 = arith.constant 0 : i32
    return %c0_i32, %arg0, %c0_i32_0 : i32, i32, i32
  }
  func.func @transform_3(%arg0: i32) -> (i32, i32) {
    %c0_i32 = arith.constant 0 : i32
    %c0_i32_0 = arith.constant 0 : i32
    %c0_i32_1 = arith.constant 0 : i32
    return %c0_i32, %c0_i32_0 : i32, i32
  }
  func.func @transform_4(%arg0: i32) -> (i32, i32) {
    %c0_i32 = arith.constant 0 : i32
    %c0_i32_0 = arith.constant 0 : i32
    return %arg0, %c0_i32 : i32, i32
  }
}

</mosaic_0001>

<sc_bundles>
// kernel: sc_segsum_d64.11.cloned.1.call-start
scs
__scs_entry_jumppad:
0x0: {  	(pc) =	sbr.rel $0x88, $3  }
0x1: {  	(tag) =	ssettag $0x0;
	lr =	simm.s32 $0x1  }
0x2: {  	[smem:$0x3F99] =	sst lr;
	_ =	strace $0xD0000000  }
0x3: {  	_ = 	snop  }
0x4: {  	_ = 	snop  }
0x5: {  	_ = 	snop  }
0x6: {  	_ = 	snop  }
0x7: {  	_ = 	snop  }
__scs_overlays_trampoline_lowered:
0x8: {  	[smem:$0x3FA8] =	sst s0  }
0x9: {  	[smem:$0x3FA9] =	sst s1  }
0xa: {  	[smem:$0x3FAA] =	sst s2  }
0xb: {  	[smem:$0x3FAB] =	sst s3  }
0xc: {  	[smem:$0x3FAC] =	sst s4  }
0xd: {  	[smem:$0x3FAD] =	sst s5  }
0xe: {  	[smem:$0x3FAE] =	sst s6  }
0xf: {  	[smem:$0x3FAF] =	sst s7  }
0x10: {  	[smem:$0x3FB0] =	sst s8  }
0x11: {  	[smem:$0x3FB1] =	sst s9;
	s0 =	simm.s32 @!p0 $0x0  }
0x12: {  	s1 =	sld [smem:$0x3F97];
	s0 =	simm.s32 @p0 $0x1  }
0x13: {  	[smem:$0x3FB2] =	sst s0;
	s0 =	simm.s32 @!p1 $0x0  }
0x14: {  	s2 =	sld [smem:$0x3F96];
	s0 =	simm.s32 @p1 $0x1  }
0x15: {  	[smem:$0x3FB3] =	sst s0;
	s0 =	simm.s32 @!p2 $0x0  }
0x16: {  	s3 =	sld [smem:$0x3FDB];
	s0 =	simm.s32 @p2 $0x1  }
0x17: {  	s4 =	simm.s32 $0x1BF5;
	[smem:$0x3FB5] =	sst s0  }
0x18: {  	s0 =	sld [smem:$0x3F98];
	_ =	swait.ge [sflag:s4], $0x0  }
0x19: {  	s7 =	sld [smem:$0x3F99]  }
0x1a: {  	s8 =	sadd.s32 $0xFFFFE003, lr  }
0x1b: {  	s9 =	sadd.s32 $0xFFFFFEF7, lr;
	s5 =	simm.s32 $0xFFFFFFFF;
	p2 =	slt.u32 s8, $0xFFFFF086  }
0x1c: {  	p1 =	slt.u32 s9, $0xF7A;
	s5 =	simm.s32 @!p2 $0x0  }
0x1d: {  	s5 =	simm.s32 @p1 $0x1;
	p0 =	seq.s32 s7, s2  }
0x1e: {  	s7 =	smul.u32 @!p0 $0xF7A, s2;
	p2 =	seq.s32 @!p0 s5, $0x0  }
0x1f: {  	s9 =	smul.u32 $0xF7A, s1;
	s8 =	simm.s32 @!p0 $0x1BF5;
	p2 =	por !p2, p0  }
0x20: {  	[sflag:s8] =	ssyncset.s32 @!p0 $0xFFFFF086;
	s6 =	sadd.s32 @!p0 s3, s7;
	s7 =	simm.s32 @!p0 $0x108  }
0x21: {  	s3 =	sadd.s32 s3, s9;
	s6 =	sadd.s32 @!p0 $0x88, s6;
	s7 =	simm.s32 @p2 $0x1082  }
0x22: {  	[simem:s7], [sflag:s8] =	dma.local @!p0 [hbm:s6], $0xF7A  }
0x23: {  	s9 =	sor.u32 $0xD0000000, s2;
	s6 =	simm.s32 $0x108;
	_ =	swait.ge @!p0 [sflag:s8], $0x0  }
0x24: {  	s3 =	sadd.s32 $0x88, s3;
	s6 =	simm.s32 @!p1 $0x1082;
	[sflag:s4] =	ssyncset.s32 $0xFFFFF086  }
0x25: {  	[simem:s6], [sflag:s4] =	dma.local [hbm:s3], $0xF7A  }
0x26: {  	[smem:$0x3F99] =	sst s1;
	(tag) =	ssettag s2;
	_ =	strace s9  }
0x27: {  	s1 =	sld [smem:$0x3FA9]  }
0x28: {  	s2 =	sld [smem:$0x3FAA]  }
0x29: {  	s4 =	sld [smem:$0x3FAC]  }
0x2a: {  	p0 =	seq.s32 s5, $0x0;
	s5 =	sld [smem:$0x3FAD]  }
0x2b: {  	s6 =	sld [smem:$0x3FAE]  }
0x2c: {  	s7 =	sld [smem:$0x3FAF]  }
0x2d: {  	s3 =	simm.s32 $0x108;
	s8 =	sld [smem:$0x3FB0]  }
0x2e: {  	s3 =	simm.s32 @!p0 $0x1082;
	s9 =	sld [smem:$0x3FB1]  }
0x2f: {  	lr =	sadd.s32 s0, s3;
	s0 =	sld [smem:$0x3FA8]  }
0x30: {  	s3 =	sld [smem:$0x3FAB]  }
0x31: {  	[smem:$0x3FB4] =	sst s10  }
0x32: {  	s10 =	sld [smem:$0x3FB2];
	_ =	sdelay $0x3  }
0x33: {  	p0 =	seq.s32 s10, $0x1;
	s10 =	sld [smem:$0x3FB4];
	_ =	sdelay $0x3  }
0x34: {  	[smem:$0x3FB4] =	sst s10  }
0x35: {  	s10 =	sld [smem:$0x3FB3];
	_ =	sdelay $0x3  }
0x36: {  	p1 =	seq.s32 s10, $0x1;
	s10 =	sld [smem:$0x3FB4];
	_ =	sdelay $0x3  }
0x37: {  	[smem:$0x3FB4] =	sst s10  }
0x38: {  	s10 =	sld [smem:$0x3FB5]  }
0x39: {  	_ = 	snop;
	(pc) =	sbr.ind lr, $3  }
0x3a: {  	_ = 	snop  }
0x3b: {  	_ = 	snop  }
0x3c: {  	p2 =	seq.s32 s10, $0x1;
	s10 =	sld [smem:$0x3FB4]  }
0x3d: {  	_ =	shalt  }
0x3e: {  	_ =	shalt  }
0x3f: {  	_ =	shalt  }
0x40: {  	_ =	shalt  }
0x41: {  	_ =	shalt  }
0x42: {  	_ =	shalt  }
0x43: {  	_ =	shalt  }
0x44: {  	_ =	shalt  }
0x45: {  	_ =	shalt  }
0x46: {  	_ =	shalt  }
0x47: {  	_ =	shalt  }
0x48: {  	_ =	shalt  }
0x49: {  	_ =	shalt  }
0x4a: {  	_ =	shalt  }
0x4b: {  	_ =	shalt  }
0x4c: {  	_ =	shalt  }
0x4d: {  	_ =	shalt  }
0x4e: {  	_ =	shalt  }
0x4f: {  	_ =	shalt  }
0x50: {  	_ =	shalt  }
0x51: {  	_ =	shalt  }
0x52: {  	_ =	shalt  }
0x53: {  	_ =	shalt  }
0x54: {  	_ =	shalt  }
0x55: {  	_ =	shalt  }
0x56: {  	_ =	shalt  }
0x57: {  	_ =	shalt  }
0x58: {  	_ =	shalt  }
0x59: {  	_ =	shalt  }
0x5a: {  	_ =	shalt  }
0x5b: {  	_ =	shalt  }
0x5c: {  	_ =	shalt  }
0x5d: {  	_ =	shalt  }
0x5e: {  	_ =	shalt  }
0x5f: {  	_ =	shalt  }
0x60: {  	_ =	shalt  }
0x61: {  	_ =	shalt  }
0x62: {  	_ =	shalt  }
0x63: {  	_ =	shalt  }
0x64: {  	_ =	shalt  }
0x65: {  	_ =	shalt  }
0x66: {  	_ =	shalt  }
0x67: {  	_ =	shalt  }
0x68: {  	_ =	shalt  }
0x69: {  	_ =	shalt  }
0x6a: {  	_ =	shalt  }
0x6b: {  	_ =	shalt  }
0x6c: {  	_ =	shalt  }
0x6d: {  	_ =	shalt  }
0x6e: {  	_ =	shalt  }
0x6f: {  	_ =	shalt  }
0x70: {  	_ =	shalt  }
0x71: {  	_ =	shalt  }
0x72: {  	_ =	shalt  }
0x73: {  	_ =	shalt  }
0x74: {  	_ =	shalt  }
0x75: {  	_ =	shalt  }
0x76: {  	_ =	shalt  }
0x77: {  	_ =	shalt  }
0x78: {  	_ =	shalt  }
0x79: {  	_ =	shalt  }
0x7a: {  	_ =	shalt  }
0x7b: {  	_ =	shalt  }
0x7c: {  	_ =	shalt  }
0x7d: {  	_ =	shalt  }
0x7e: {  	_ =	shalt  }
0x7f: {  	_ =	shalt  }
0x80: {  	_ =	shalt  }
0x81: {  	_ =	shalt  }
0x82: {  	_ =	shalt  }
0x83: {  	_ =	shalt  }
0x84: {  	_ =	shalt  }
0x85: {  	_ =	shalt  }
0x86: {  	_ =	shalt  }
0x87: {  	_ =	shalt  }
.Lfunc_end0:
.L_simem_size_0:
called_computation.2_lowered:
.L_overlay_start_0:
0x88: {  	s2 =	sld [smem:$0x3FD9]  }
0x89: {  	s3 =	sld [smem:$0x3FFE];
	_ =	sdelay $0x1  }
0x8a: {  	s1 =	srdreg.scid  }
0x8b: {  	s0 =	sand.u32 $0x1, s1  }
0x8c: {  	s17 =	sshll.u32 s0, $0xA;
	s2 =	sadd.s32 s3, s2  }
0x8d: {  	s2 =	sadd.s32 s2, s17  }
0x8e: {  	[smem:$0x3FC0] =	sst s2  }
0x8f: {  	_ = 	snop  }
0x90: {  	s2 =	sld [smem:$0x3FD0];
	(tm) =	ssettm $0x1  }
0x91: {  	s18 =	sld [smem:$0x3FFB];
	_ =	sdelay $0x3  }
0x92: {  	_ =	strace s18  }
0x93: {  	s3 =	sld [smem:$0x3FFC];
	_ =	sdelay $0x3  }
0x94: {  	_ =	strace s3  }
0x95: {  	s3 =	sld [smem:$0x3FFD];
	_ =	sdelay $0x3  }
0x96: {  	_ =	strace s3  }
0x97: {  	_ =	strace $0x8FFFFFFF  }
0x98: {  	s19 =	sld [smem:$0x3FDB];
	_ =	sdelay $0x1  }
0x99: {  	s4 =	simm.s32 $_scs_section_size  }
0x9a: {  	s5 =	simm.s32 $_size__tile_overlayer_lowered;
	s6 =	simm.s32 $_tile_overlayer_lowered  }
0x9b: {  	s22 =	simm.s32 $0x1BFF;
	s21 =	sshll.u32 s6, $0x1;
	s3 =	sadd.s32 s4, s19  }
0x9c: {  	s7 =	simm.s32 $0x0;
	s20 =	sshll.u32 s5, $0x1;
	s5 =	sadd.s32 s21, s3  }
0x9d: {  	[timem:s7], [sflag:s22] =	dma.local [hbm:s5], s20  }
0x9e: {  	_ =	swait.ge [sflag:s22], s20  }
0x9f: {  	s4 =	ssub.s32 $0x0, s20;
	[sflag:s22] =	ssyncset.done $0x0  }
0xa0: {  	[sflag:s22] =	ssyncadd.s32 s4;
	_ =	sdelay $0x1  }
0xa1: {  	s23 =	simm.s32 $0x1B8B  }
0xa2: {  	_ =	swait.ge [sflag:s23], $0x1  }
0xa3: {  	[sflag:s23] =	ssyncset.done $0x0  }
0xa4: {  	s25 =	simm.s32 $0x1B8E;
	s24 =	sld [smem:$0x3FFE];
	[sflag:s23] =	ssyncadd.s32 $0xFFFFFFFF  }
0xa5: {  	s26 =	simm.s32 $execute0_lowered;
	[smem:$0x3FD2] =	sst s25  }
0xa6: {  	s5 =	sshll.u32 s26, $0x1;
	_ =	strace $0x8000004C;
	[dreg:$0x1] =	wrdreg $0xFFFFFFFF  }
0xa7: {  	s28 =	simm.s32 $_size_execute0_lowered;
	s3 =	sadd.s32 s3, s5;
	[dreg:$0x0] =	wrdreg $0x0  }
0xa8: {  	s5 =	sshll.u32 s28, $0x1;
	[dreg:$0x2] =	wrdreg s3  }
0xa9: {  	[dreg:$0x3] =	wrdreg s5  }
0xaa: {  	[dreg:$0x4] =	wrdreg $0xC0  }
0xab: {  	_ =	task [dreg:s7], $0x5FFFF  }
0xac: {  	[dreg:$0x1] =	wrdreg $0xFFFFFFFF  }
0xad: {  	[dreg:$0x0] =	wrdreg $0x60  }
0xae: {  	[dreg:$0x2] =	wrdreg s24  }
0xaf: {  	[dreg:$0x3] =	wrdreg s2  }
0xb0: {  	[dreg:$0x4] =	wrdreg $0x90000  }
0xb1: {  	[dreg:$0x5] =	wrdreg $0x9  }
0xb2: {  	_ =	task.clear_ibuf [dreg:s7], $0x6FFFF;
	_ =	strace $0x9000004C  }
0xb3: {  	s29 =	simm.s32 $0x9;
	_ =	strace $0x8000004E  }
0xb4: {  	_ =	swait.ge [sflag:s29], $0x1  }
0xb5: {  	[sflag:s29] =	ssyncadd.s32 $0xFFFFFFFF  }
0xb6: {  	_ =	strace $0x9000004E  }
0xb7: {  	_ =	sfence  }
0xb8: {  	s30 =	sld [smem:$0x0];
	_ =	sdelay $0x2  }
0xb9: {  	s31 =	sshll.u32 s1, $0xD;
	s1 =	sshrl.u32 s1, $0x2  }
0xba: {  	s3 =	sand.u32 $0x4000, s31;
	s1 =	sadd.s32 s1, s30  }
0xbb: {  	s0 =	sor.u32 s3, s0;
	s1 =	sshll.u32 s1, $0x11  }
0xbc: {  	s0 =	sor.u32 s1, s0  }
0xbd: {  	s0 =	sadd.s32 $0x8F2B, s0  }
0xbe: {  	[sflag:s0] =	ssyncadd.remote.s32 $0x1  }
0xbf: {  	_ =	sfence.sel $0xFFFF  }
0xc0: {  	[dreg:$0x0] =	wrdreg $0xFFFFFFFF;
	(pc) =	sbr.abs _section_cstart, $3  }
0xc1: {  	[dreg:$0x1] =	wrdreg $0xFFFFFFFF  }
0xc2: {  	_ =	task.clear_ibuf [dreg:s7], $0x2FFFF;
	_ =	strace $0x9FFFFFFF  }
0xc3: {  	(tm) =	ssettm $0x7FFFFFFF  }
tec
execute0_lowered:
.L_overlay_start_1:
0x0: {  	(tag) =	ssettag $0x1  }
0x1: {  	s6 =	rddreg [dreg:$0x0]  }
0x2: {  	s7 =	rddreg [dreg:$0x1]  }
0x3: {  	s2 =	rddreg [dreg:$0x2]  }
0x4: {  	s0 =	rddreg [dreg:$0x3];
	s3 =	simm.s32 $0x0;
	s4 =	srdreg.scid  }
0x5: {  	s1 =	stileid.u32;
	s14 =	simm.s32 $0x80;
	s15 =	simm.s32 $0x5000  }
0x6: {  	s16 =	simm.s32 $0x7000;
	s17 =	simm.s32 $0x1;
	s18 =	simm.s32 $0x2  }
0x7: {  	s19 =	simm.s32 $0x4F00;
	s20 =	simm.s32 $0x4F80;
	s21 =	simm.s32 $0x0  }
0x8: {  	s5 =	sand.u32 $0x1, s4;
	s29 =	sshll.u32 s1, $0x1;
	s8 =	smul.u32 $0xA000, s1  }
0x9: {  	[smem:$0x7FF] =	sst s3;
	s31 =	sshll.u32 s1, $0x6;
	s4 =	sor.u32 s5, s29  }
0xa: {  	s9 =	smul.u32 $0xA0000, s5;
	_ =	strace $0x8000004D;
	s11 =	ssub.s32 $0x2, s5  }
0xb: {  	s5 =	sadd.s32 $0x1FC00, s6;
	s10 =	smul.u32 $0x500, s4;
	s4 =	sadd.s32 $0xBC00, s6  }
0xc: {  	s13 =	sshrl.u32 s11, $0x1;
	s30 =	sadd.s32 s8, s2;
	s9 =	sadd.s32 s8, s9  }
0xd: {  	s11 =	ssub.s32 s11, s13;
	s13 =	sshrl.u32 s30, $0x3;
	s9 =	sshrl.u32 s9, $0x3  }
0xe: {  	s12 =	sadd.s32 s10, s6;
	s9 =	sadd.s32 s9, s6;
	s6 =	sadd.s32 s7, s10  }
0xf: {  	s7 =	sadd.s32 $0x1C00, s12;
	s10 =	simm.s32 $0x3;
	s12 =	sor.u32 $0x1C03, s31  }
0x10: {  	s8 =	sadd.s32 $0x71000, s9;
	s9 =	smax.u32 s11, $0x1;
	s11 =	simm.s32 $0x2800  }
.LBB2_1:
0x11: {  	[tilespmem:s3], [sflag:$0x3] =	stream.linear.gather [hbm4b:s6+s3], $0x2800, $0x38;
	[tilespmem:$0x13000] =	vst v63  }
0x12: {  	_ =	swait.ge [sflag:s10], $0x2800  }
0x13: {  	[sflag:s10] =	ssyncset.done $0x0  }
0x14: {  	[sflag:s10] =	ssyncadd.s32 $0xFFFFD800  }
0x15: {  	[tilespmem:s11], [sflag:$0x3] =	stream.linear.gather [hbm4b:s7+s3], $0x2800, $0x38;
	[tilespmem:$0x13000] =	vst v63  }
0x16: {  	_ =	swait.ge [sflag:s10], $0x2800  }
0x17: {  	[sflag:s10] =	ssyncset.done $0x0  }
0x18: {  	[sflag:s10] =	ssyncadd.s32 $0xFFFFD800  }
0x19: {  	[spmem:s13], [sflag:s12] =	dma.local [hbm:s5], $0x1400  }
0x1a: {  	_ =	swait.ge [sflag:s10], $0x1400  }
0x1b: {  	[sflag:s10] =	ssyncset.done $0x0  }
0x1c: {  	[sflag:s10] =	ssyncadd.s32 $0xFFFFEC00  }
0x1d: {  	[bflag:$0x0] =	sbarrier.arrive $0xFFFF  }
0x1e: {  	[tilespmem:s15], [sflag:$0x1] =	stream.indirect.gather [hbm4b:s4+s14], $0x40, s3, s14, $0xb8;
	[tilespmem:$0x13000] =	vst v63  }
0x1f: {  	_ = 	snop  }
0x20: {  	[tilespmem:s16], [sflag:$0x2] =	stream.indirect.gather [hbm4b:s4+s14], $0x40, s14, s14, $0xb8;
	[tilespmem:$0x13000] =	vst v63  }
0x21: {  	_ =	swait.ge [sflag:s17], $0x2000  }
0x22: {  	[sflag:s17] =	ssyncset.done $0x0  }
0x23: {  	s22 =	simm.s32 $0x2800;
	[sflag:s17] =	ssyncadd.s32 $0xFFFFE000  }
0x24: {  	[spmem:s2] =	stream.indirect.scatter.add.f32 [tilespmem:s15], [sflag:$0x3], $0x40, s22, s14, $0xb8;
	[tilespmem:$0x13000] =	vst v63  }
0x25: {  	_ =	swait.ge [sflag:s10], $0x2000  }
0x26: {  	[sflag:s10] =	ssyncset.done $0x0  }
0x27: {  	s30 =	simm.s32 $0x100;
	[sflag:s10] =	ssyncadd.s32 $0xFFFFE000  }
0x28: {  	[tilespmem:s15], [sflag:$0x1] =	stream.indirect.gather [hbm4b:s4+s14], $0x40, s30, s14, $0xb8;
	[tilespmem:$0x13000] =	vst v63  }
0x29: {  	_ =	swait.ge [sflag:s18], $0x2000  }
0x2a: {  	[sflag:s18] =	ssyncset.done $0x0  }
0x2b: {  	s31 =	simm.s32 $0x2880;
	[sflag:s18] =	ssyncadd.s32 $0xFFFFE000  }
0x2c: {  	[spmem:s2] =	stream.indirect.scatter.add.f32 [tilespmem:s16], [sflag:$0x3], $0x40, s31, s14, $0xb8;
	[tilespmem:$0x13000] =	vst v63  }
0x2d: {  	_ =	swait.ge [sflag:s10], $0x2000  }
0x2e: {  	[sflag:s10] =	ssyncset.done $0x0  }
0x2f: {  	s23 =	simm.s32 $0x180;
	s22 =	simm.s32 $0x400;
	[sflag:s10] =	ssyncadd.s32 $0xFFFFE000  }
.LBB2_2:
0x30: {  	[tilespmem:s16], [sflag:$0x2] =	stream.indirect.gather [hbm4b:s4+s14], $0x40, s23, s14, $0xb8;
	[tilespmem:$0x13000] =	vst v63  }
0x31: {  	s23 =	smov.u32 s22  }
0x32: {  	p0 =	sne.s32 s22, $0x9800;
	s22 =	sadd.s32 $0x400, s22;
	_ =	swait.ge [sflag:s17], $0x2000  }
0x33: {  	s23 =	sshra.s32 s23, $0x2;
	[sflag:s17] =	ssyncset.done $0x0  }
0x34: {  	s24 =	sadd.s32 $0x2800, s23;
	[sflag:s17] =	ssyncadd.s32 $0xFFFFE000  }
0x35: {  	[spmem:s2] =	stream.indirect.scatter.add.f32 [tilespmem:s15], [sflag:$0x3], $0x40, s24, s14, $0xb8;
	[tilespmem:$0x13000] =	vst v63  }
0x36: {  	_ =	swait.ge [sflag:s10], $0x2000  }
0x37: {  	[sflag:s10] =	ssyncset.done $0x0  }
0x38: {  	s24 =	sadd.s32 $0x100, s23;
	[sflag:s10] =	ssyncadd.s32 $0xFFFFE000  }
0x39: {  	[tilespmem:s15], [sflag:$0x1] =	stream.indirect.gather [hbm4b:s4+s14], $0x40, s24, s14, $0xb8;
	[tilespmem:$0x13000] =	vst v63  }
0x3a: {  	_ =	swait.ge [sflag:s18], $0x2000  }
0x3b: {  	[sflag:s18] =	ssyncset.done $0x0  }
.Ltmp0:
0x3c: {  	s24 =	sadd.s32 $0x2880, s23;
	[sflag:s18] =	ssyncadd.s32 $0xFFFFE000;
	(pc) =	sbr.rel @p0 .LBB2_2-.Ltmp0, $4  }
0x3d: {  	[spmem:s2] =	stream.indirect.scatter.add.f32 [tilespmem:s16], [sflag:$0x3], $0x40, s24, s14, $0xb8;
	[tilespmem:$0x13000] =	vst v63  }
0x3e: {  	_ =	swait.ge [sflag:s10], $0x2000  }
0x3f: {  	[sflag:s10] =	ssyncset.done $0x0  }
0x40: {  	s23 =	sadd.s32 $0x180, s23;
	[sflag:s10] =	ssyncadd.s32 $0xFFFFE000  }
0x41: {  	[tilespmem:s16], [sflag:$0x2] =	stream.indirect.gather [hbm4b:s4+s14], $0x40, s23, s14, $0xb8;
	[tilespmem:$0x13000] =	vst v63  }
0x42: {  	_ =	swait.ge [sflag:s17], $0x2000  }
0x43: {  	[sflag:s17] =	ssyncset.done $0x0  }
0x44: {  	[sflag:s17] =	ssyncadd.s32 $0xFFFFE000  }
0x45: {  	[spmem:s2] =	stream.indirect.scatter.add.f32 [tilespmem:s15], [sflag:$0x3], $0x40, s19, s14, $0xb8;
	[tilespmem:$0x13000] =	vst v63  }
0x46: {  	_ =	swait.ge [sflag:s10], $0x2000  }
0x47: {  	[sflag:s10] =	ssyncset.done $0x0  }
0x48: {  	[sflag:s10] =	ssyncadd.s32 $0xFFFFE000  }
0x49: {  	_ =	swait.ge [sflag:s18], $0x2000  }
0x4a: {  	[sflag:s18] =	ssyncset.done $0x0  }
0x4b: {  	[sflag:s18] =	ssyncadd.s32 $0xFFFFE000  }
0x4c: {  	[spmem:s2] =	stream.indirect.scatter.add.f32 [tilespmem:s16], [sflag:$0x3], $0x40, s20, s14, $0xb8;
	[tilespmem:$0x13000] =	vst v63  }
0x4d: {  	_ =	swait.ge [sflag:s10], $0x2000  }
0x4e: {  	s21 =	sadd.s32 $0x1, s21;
	[sflag:s10] =	ssyncset.done $0x0  }
0x4f: {  	p0 =	sne.s32 s21, s9;
	[sflag:s10] =	ssyncadd.s32 $0xFFFFE000  }
.Ltmp1:
0x50: {  	[bflag:$0x0] =	sbarrier.arrive $0xFFFF;
	(pc) =	sbr.rel @p0 .LBB2_1-.Ltmp1, $4  }
0x51: {  	[hbm:s8], [sflag:s12] =	dma.local [spmem:s13], $0x1400  }
0x52: {  	_ =	swait.ge [sflag:s10], $0x1400  }
0x53: {  	[sflag:s10] =	ssyncset.done $0x0  }
0x54: {  	[sflag:s10] =	ssyncadd.s32 $0xFFFFEC00  }
0x55: {  	_ =	sfence.sel $0x180000  }
0x56: {  	[bflag:$0x0] =	sbarrier.arrive $0xFFFF  }
0x57: {  	p0 =	sne.s32 s1, $0x0;
	_ =	strace $0x9000004D  }
0x58: {  	s0 =	sadd.s32 @!p0 $0x100000, s0;
	[bflag:$0x2] =	sbarrier.arrive $0xFFFF  }
0x59: {  	[sflag:s0] =	ssyncadd.tile.s32 @!p0 $0x1;
	_ =	shalt  }
.Lfunc_end2:
_tile_overlayer_lowered:
.L_overlay_start_2:
0x5a: {  	(tag) =	ssettag $0x2  }
0x5b: {  	s0 =	rddreg [dreg:$0x0];
	s2 =	stileid.u32  }
0x5c: {  	s1 =	rddreg [dreg:$0x1];
	p0 =	sne.s32 s2, $0x0  }
0x5d: {  	s3 =	rddreg [dreg:$0x2];
	[bflag:$0x3] =	sbarrier.arrive $0xFFFF;
	s2 =	simm.s32 @!p0 $0x1C03  }
0x5e: {  	[timem:s3], [sflag:s2] =	dma.local @!p0 [hbm:s0], s1  }
0x5f: {  	s0 =	simm.s32 @!p0 $0x3  }
0x60: {  	_ =	swait.ge @!p0 [sflag:s0], s1  }
0x61: {  	s1 =	ssub.s32 @!p0 $0x0, s1;
	[sflag:s0] =	ssyncset.done @!p0 $0x0  }
0x62: {  	[sflag:s0] =	ssyncadd.s32 @!p0 s1  }
0x63: {  	[bflag:$0x3] =	sbarrier.arrive $0xFFFF  }
0x64: {  	_ =	shalt  }

// kernel: sc_segsum_d64.5.cloned.1.call-start
scs
__scs_entry_jumppad:
0x0: {  	(pc) =	sbr.rel $0x88, $3  }
0x1: {  	(tag) =	ssettag $0x0;
	lr =	simm.s32 $0x1  }
0x2: {  	[smem:$0x3F99] =	sst lr;
	_ =	strace $0xD0000000  }
0x3: {  	_ = 	snop  }
0x4: {  	_ = 	snop  }
0x5: {  	_ = 	snop  }
0x6: {  	_ = 	snop  }
0x7: {  	_ = 	snop  }
__scs_overlays_trampoline_lowered:
0x8: {  	[smem:$0x3FA8] =	sst s0  }
0x9: {  	[smem:$0x3FA9] =	sst s1  }
0xa: {  	[smem:$0x3FAA] =	sst s2  }
0xb: {  	[smem:$0x3FAB] =	sst s3  }
0xc: {  	[smem:$0x3FAC] =	sst s4  }
0xd: {  	[smem:$0x3FAD] =	sst s5  }
0xe: {  	[smem:$0x3FAE] =	sst s6  }
0xf: {  	[smem:$0x3FAF] =	sst s7  }
0x10: {  	[smem:$0x3FB0] =	sst s8  }
0x11: {  	[smem:$0x3FB1] =	sst s9;
	s0 =	simm.s32 @!p0 $0x0  }
0x12: {  	s1 =	sld [smem:$0x3F97];
	s0 =	simm.s32 @p0 $0x1  }
0x13: {  	[smem:$0x3FB2] =	sst s0;
	s0 =	simm.s32 @!p1 $0x0  }
0x14: {  	s2 =	sld [smem:$0x3F96];
	s0 =	simm.s32 @p1 $0x1  }
0x15: {  	[smem:$0x3FB3] =	sst s0;
	s0 =	simm.s32 @!p2 $0x0  }
0x16: {  	s3 =	sld [smem:$0x3FDB];
	s0 =	simm.s32 @p2 $0x1  }
0x17: {  	s4 =	simm.s32 $0x1BF5;
	[smem:$0x3FB5] =	sst s0  }
0x18: {  	s0 =	sld [smem:$0x3F98];
	_ =	swait.ge [sflag:s4], $0x0  }
0x19: {  	s7 =	sld [smem:$0x3F99]  }
0x1a: {  	s8 =	sadd.s32 $0xFFFFE003, lr  }
0x1b: {  	s9 =	sadd.s32 $0xFFFFFEF7, lr;
	s5 =	simm.s32 $0xFFFFFFFF;
	p2 =	slt.u32 s8, $0xFFFFF086  }
0x1c: {  	p1 =	slt.u32 s9, $0xF7A;
	s5 =	simm.s32 @!p2 $0x0  }
0x1d: {  	s5 =	simm.s32 @p1 $0x1;
	p0 =	seq.s32 s7, s2  }
0x1e: {  	s7 =	smul.u32 @!p0 $0xF7A, s2;
	p2 =	seq.s32 @!p0 s5, $0x0  }
0x1f: {  	s9 =	smul.u32 $0xF7A, s1;
	s8 =	simm.s32 @!p0 $0x1BF5;
	p2 =	por !p2, p0  }
0x20: {  	[sflag:s8] =	ssyncset.s32 @!p0 $0xFFFFF086;
	s6 =	sadd.s32 @!p0 s3, s7;
	s7 =	simm.s32 @!p0 $0x108  }
0x21: {  	s3 =	sadd.s32 s3, s9;
	s6 =	sadd.s32 @!p0 $0x88, s6;
	s7 =	simm.s32 @p2 $0x1082  }
0x22: {  	[simem:s7], [sflag:s8] =	dma.local @!p0 [hbm:s6], $0xF7A  }
0x23: {  	s9 =	sor.u32 $0xD0000000, s2;
	s6 =	simm.s32 $0x108;
	_ =	swait.ge @!p0 [sflag:s8], $0x0  }
0x24: {  	s3 =	sadd.s32 $0x88, s3;
	s6 =	simm.s32 @!p1 $0x1082;
	[sflag:s4] =	ssyncset.s32 $0xFFFFF086  }
0x25: {  	[simem:s6], [sflag:s4] =	dma.local [hbm:s3], $0xF7A  }
0x26: {  	[smem:$0x3F99] =	sst s1;
	(tag) =	ssettag s2;
	_ =	strace s9  }
0x27: {  	s1 =	sld [smem:$0x3FA9]  }
0x28: {  	s2 =	sld [smem:$0x3FAA]  }
0x29: {  	s4 =	sld [smem:$0x3FAC]  }
0x2a: {  	p0 =	seq.s32 s5, $0x0;
	s5 =	sld [smem:$0x3FAD]  }
0x2b: {  	s6 =	sld [smem:$0x3FAE]  }
0x2c: {  	s7 =	sld [smem:$0x3FAF]  }
0x2d: {  	s3 =	simm.s32 $0x108;
	s8 =	sld [smem:$0x3FB0]  }
0x2e: {  	s3 =	simm.s32 @!p0 $0x1082;
	s9 =	sld [smem:$0x3FB1]  }
0x2f: {  	lr =	sadd.s32 s0, s3;
	s0 =	sld [smem:$0x3FA8]  }
0x30: {  	s3 =	sld [smem:$0x3FAB]  }
0x31: {  	[smem:$0x3FB4] =	sst s10  }
0x32: {  	s10 =	sld [smem:$0x3FB2];
	_ =	sdelay $0x3  }
0x33: {  	p0 =	seq.s32 s10, $0x1;
	s10 =	sld [smem:$0x3FB4];
	_ =	sdelay $0x3  }
0x34: {  	[smem:$0x3FB4] =	sst s10  }
0x35: {  	s10 =	sld [smem:$0x3FB3];
	_ =	sdelay $0x3  }
0x36: {  	p1 =	seq.s32 s10, $0x1;
	s10 =	sld [smem:$0x3FB4];
	_ =	sdelay $0x3  }
0x37: {  	[smem:$0x3FB4] =	sst s10  }
0x38: {  	s10 =	sld [smem:$0x3FB5]  }
0x39: {  	_ = 	snop;
	(pc) =	sbr.ind lr, $3  }
0x3a: {  	_ = 	snop  }
0x3b: {  	_ = 	snop  }
0x3c: {  	p2 =	seq.s32 s10, $0x1;
	s10 =	sld [smem:$0x3FB4]  }
0x3d: {  	_ =	shalt  }
0x3e: {  	_ =	shalt  }
0x3f: {  	_ =	shalt  }
0x40: {  	_ =	shalt  }
0x41: {  	_ =	shalt  }
0x42: {  	_ =	shalt  }
0x43: {  	_ =	shalt  }
0x44: {  	_ =	shalt  }
0x45: {  	_ =	shalt  }
0x46: {  	_ =	shalt  }
0x47: {  	_ =	shalt  }
0x48: {  	_ =	shalt  }
0x49: {  	_ =	shalt  }
0x4a: {  	_ =	shalt  }
0x4b: {  	_ =	shalt  }
0x4c: {  	_ =	shalt  }
0x4d: {  	_ =	shalt  }
0x4e: {  	_ =	shalt  }
0x4f: {  	_ =	shalt  }
0x50: {  	_ =	shalt  }
0x51: {  	_ =	shalt  }
0x52: {  	_ =	shalt  }
0x53: {  	_ =	shalt  }
0x54: {  	_ =	shalt  }
0x55: {  	_ =	shalt  }
0x56: {  	_ =	shalt  }
0x57: {  	_ =	shalt  }
0x58: {  	_ =	shalt  }
0x59: {  	_ =	shalt  }
0x5a: {  	_ =	shalt  }
0x5b: {  	_ =	shalt  }
0x5c: {  	_ =	shalt  }
0x5d: {  	_ =	shalt  }
0x5e: {  	_ =	shalt  }
0x5f: {  	_ =	shalt  }
0x60: {  	_ =	shalt  }
0x61: {  	_ =	shalt  }
0x62: {  	_ =	shalt  }
0x63: {  	_ =	shalt  }
0x64: {  	_ =	shalt  }
0x65: {  	_ =	shalt  }
0x66: {  	_ =	shalt  }
0x67: {  	_ =	shalt  }
0x68: {  	_ =	shalt  }
0x69: {  	_ =	shalt  }
0x6a: {  	_ =	shalt  }
0x6b: {  	_ =	shalt  }
0x6c: {  	_ =	shalt  }
0x6d: {  	_ =	shalt  }
0x6e: {  	_ =	shalt  }
0x6f: {  	_ =	shalt  }
0x70: {  	_ =	shalt  }
0x71: {  	_ =	shalt  }
0x72: {  	_ =	shalt  }
0x73: {  	_ =	shalt  }
0x74: {  	_ =	shalt  }
0x75: {  	_ =	shalt  }
0x76: {  	_ =	shalt  }
0x77: {  	_ =	shalt  }
0x78: {  	_ =	shalt  }
0x79: {  	_ =	shalt  }
0x7a: {  	_ =	shalt  }
0x7b: {  	_ =	shalt  }
0x7c: {  	_ =	shalt  }
0x7d: {  	_ =	shalt  }
0x7e: {  	_ =	shalt  }
0x7f: {  	_ =	shalt  }
0x80: {  	_ =	shalt  }
0x81: {  	_ =	shalt  }
0x82: {  	_ =	shalt  }
0x83: {  	_ =	shalt  }
0x84: {  	_ =	shalt  }
0x85: {  	_ =	shalt  }
0x86: {  	_ =	shalt  }
0x87: {  	_ =	shalt  }
.Lfunc_end0:
.L_simem_size_0:
called_computation_lowered:
.L_overlay_start_0:
0x88: {  	s2 =	sld [smem:$0x3FD9]  }
0x89: {  	s3 =	sld [smem:$0x3FFE];
	_ =	sdelay $0x1  }
0x8a: {  	s1 =	srdreg.scid  }
0x8b: {  	s0 =	sand.u32 $0x1, s1  }
0x8c: {  	s17 =	sshll.u32 s0, $0xA;
	s2 =	sadd.s32 s3, s2  }
0x8d: {  	s2 =	sadd.s32 s2, s17  }
0x8e: {  	[smem:$0x3FC0] =	sst s2  }
0x8f: {  	_ = 	snop  }
0x90: {  	s18 =	sld [smem:$0x3FD0];
	(tm) =	ssettm $0x1  }
0x91: {  	s19 =	sld [smem:$0x3FFB];
	_ =	sdelay $0x3  }
0x92: {  	_ =	strace s19  }
0x93: {  	s2 =	sld [smem:$0x3FFC];
	_ =	sdelay $0x3  }
0x94: {  	_ =	strace s2  }
0x95: {  	s2 =	sld [smem:$0x3FFD];
	_ =	sdelay $0x3  }
0x96: {  	_ =	strace s2  }
0x97: {  	_ =	strace $0x8FFFFFFF  }
0x98: {  	s20 =	sld [smem:$0x3FDB];
	_ =	sdelay $0x1  }
0x99: {  	s4 =	simm.s32 $_scs_section_size  }
0x9a: {  	s5 =	simm.s32 $_size__tile_overlayer_lowered;
	s6 =	simm.s32 $_tile_overlayer_lowered  }
0x9b: {  	s7 =	simm.s32 $0x1BFF;
	s21 =	sshll.u32 s6, $0x1;
	s4 =	sadd.s32 s4, s20  }
0x9c: {  	s22 =	simm.s32 $0x0;
	s5 =	sshll.u32 s5, $0x1;
	s6 =	sadd.s32 s21, s4  }
0x9d: {  	[timem:s22], [sflag:s7] =	dma.local [hbm:s6], s5  }
0x9e: {  	_ =	swait.ge [sflag:s7], s5  }
0x9f: {  	s5 =	ssub.s32 $0x0, s5;
	[sflag:s7] =	ssyncset.done $0x0  }
0xa0: {  	[sflag:s7] =	ssyncadd.s32 s5;
	_ =	sdelay $0x1  }
0xa1: {  	s23 =	simm.s32 $0x1B8B  }
0xa2: {  	_ =	swait.ge [sflag:s23], $0x1  }
0xa3: {  	[sflag:s23] =	ssyncset.done $0x0  }
0xa4: {  	[sflag:s23] =	ssyncadd.s32 $0xFFFFFFFF  }
0xa5: {  	s5 =	sld [smem:$0x0]  }
0xa6: {  	s6 =	sand.u32 $0xFFFFFFFE, s1  }
0xa7: {  	p0 =	sne.s32 s1, s6  }
0xa8: {  	s6 =	sshll.u32 @p0 s6, $0xE  }
0xa9: {  	s6 =	sadd.s32 @p0 $0x11B8D, s6;
	s7 =	sshll.u32 @p0 s5, $0x11  }
0xaa: {  	s6 =	sor.u32 @p0 s7, s6  }
0xab: {  	[sflag:s6] =	ssyncadd.remote.s32 @p0 $0x1;
	_ =	sdelay $0x1  }
0xac: {  	s6 =	simm.s32 @p0 $0x1B8D  }
0xad: {  	_ =	swait.eq @p0 [sflag:s6], $0x1  }
0xae: {  	[sflag:s6] =	ssyncadd.s32 @p0 $0xFFFFFFFF  }
0xaf: {  	s7 =	sshll.u32 @!p0 s1, $0xE  }
0xb0: {  	s7 =	sor.u32 @!p0 $0x4000, s7;
	s6 =	simm.s32 @!p0 $0x1B8D  }
0xb1: {  	s5 =	sshll.u32 @!p0 s5, $0x11;
	s7 =	sadd.s32 @!p0 $0x11B8D, s7;
	_ =	swait.eq @!p0 [sflag:s6], $0x1  }
0xb2: {  	s5 =	sor.u32 @!p0 s5, s7;
	[sflag:s6] =	ssyncadd.s32 @!p0 $0xFFFFFFFF  }
0xb3: {  	s25 =	simm.s32 $0x1B8E;
	s24 =	sld [smem:$0x3FFE];
	[sflag:s5] =	ssyncadd.remote.s32 @!p0 $0x1  }
0xb4: {  	s26 =	simm.s32 $execute0_lowered;
	[smem:$0x3FD2] =	sst s25  }
0xb5: {  	s6 =	sshll.u32 s26, $0x1;
	_ =	strace $0x80000049;
	[dreg:$0x1] =	wrdreg $0xFFFFFFFF  }
0xb6: {  	s28 =	simm.s32 $_size_execute0_lowered;
	s4 =	sadd.s32 s4, s6;
	[dreg:$0x0] =	wrdreg $0x0  }
0xb7: {  	s6 =	sshll.u32 s28, $0x1;
	[dreg:$0x2] =	wrdreg s4  }
0xb8: {  	[dreg:$0x3] =	wrdreg s6  }
0xb9: {  	[dreg:$0x4] =	wrdreg $0xC0  }
0xba: {  	_ =	task [dreg:s22], $0x5FFFF  }
0xbb: {  	[dreg:$0x1] =	wrdreg $0xFFFFFFFF  }
0xbc: {  	[dreg:$0x0] =	wrdreg $0x60  }
0xbd: {  	[dreg:$0x2] =	wrdreg s24  }
0xbe: {  	[dreg:$0x3] =	wrdreg s18  }
0xbf: {  	[dreg:$0x4] =	wrdreg $0x90000  }
0xc0: {  	[dreg:$0x5] =	wrdreg $0x134000  }
0xc1: {  	[dreg:$0x6] =	wrdreg $0x9  }
0xc2: {  	_ =	task.clear_ibuf [dreg:s22], $0x7FFFF;
	_ =	strace $0x90000049  }
0xc3: {  	s29 =	simm.s32 $0x9;
	_ =	strace $0x8000004B  }
0xc4: {  	_ =	swait.ge [sflag:s29], $0x1  }
0xc5: {  	[sflag:s29] =	ssyncadd.s32 $0xFFFFFFFF  }
0xc6: {  	_ =	strace $0x9000004B  }
0xc7: {  	_ =	sfence  }
0xc8: {  	s30 =	sld [smem:$0x0];
	_ =	sdelay $0x2  }
0xc9: {  	s31 =	sshll.u32 s1, $0xD;
	s1 =	sshrl.u32 s1, $0x2  }
0xca: {  	s4 =	sand.u32 $0x4000, s31;
	s1 =	sadd.s32 s1, s30  }
0xcb: {  	s0 =	sor.u32 s4, s0;
	s1 =	sshll.u32 s1, $0x11  }
0xcc: {  	s0 =	sor.u32 s1, s0  }
0xcd: {  	s0 =	sadd.s32 $0x8F2B, s0  }
0xce: {  	[sflag:s0] =	ssyncadd.remote.s32 $0x1  }
0xcf: {  	_ =	sfence.sel $0xFFFF  }
0xd0: {  	[dreg:$0x0] =	wrdreg $0xFFFFFFFF;
	(pc) =	sbr.abs _section_cstart, $3  }
0xd1: {  	[dreg:$0x1] =	wrdreg $0xFFFFFFFF  }
0xd2: {  	_ =	task.clear_ibuf [dreg:s22], $0x2FFFF;
	_ =	strace $0x9FFFFFFF  }
0xd3: {  	(tm) =	ssettm $0x7FFFFFFF  }
tec
execute0_lowered:
.L_overlay_start_1:
0x0: {  	(tag) =	ssettag $0x1  }
0x1: {  	s9 =	rddreg [dreg:$0x0]  }
0x2: {  	s10 =	rddreg [dreg:$0x1]  }
0x3: {  	s1 =	srdreg.scid;
	s2 =	rddreg [dreg:$0x2]  }
0x4: {  	s0 =	stileid.u32;
	s3 =	rddreg [dreg:$0x3]  }
0x5: {  	s4 =	simm.s32 $0x0;
	s21 =	simm.s32 $0x5000;
	s22 =	simm.s32 $0x7000  }
0x6: {  	s23 =	simm.s32 $0x1;
	s24 =	simm.s32 $0x2;
	s25 =	simm.s32 $0x4F00  }
0x7: {  	s26 =	simm.s32 $0x4F80;
	s28 =	simm.s32 $0x0;
	s11 =	sand.u32 $0x1, s1  }
0x8: {  	s30 =	sshll.u32 s0, $0x1;
	s13 =	smul.u32 $0xA000, s0;
	[smem:$0x7FF] =	sst s4  }
0x9: {  	s5 =	sadd.s32 $0x49000, s9;
	s15 =	smul.u32 $0x1400, s0;
	s6 =	sadd.s32 $0x1FC00, s9  }
0xa: {  	s7 =	sadd.s32 $0x5D200, s9;
	s8 =	sadd.s32 $0x5D000, s9;
	s14 =	smul.u32 $0xA0000, s11  }
0xb: {  	s31 =	sshll.u32 s0, $0x6;
	s1 =	sor.u32 s11, s30;
	s17 =	smul.u32 $0x14000, s11  }
0xc: {  	s11 =	ssub.s32 $0x2, s11;
	s12 =	smul.u32 $0x500, s1;
	s1 =	rddreg [dreg:$0x4]  }
0xd: {  	_ =	strace $0x8000004A;
	s18 =	sshrl.u32 s11, $0x1;
	s19 =	sadd.s32 s13, s2  }
0xe: {  	s20 =	sadd.s32 s15, s3;
	s14 =	sadd.s32 s13, s14;
	s17 =	sadd.s32 s15, s17  }
0xf: {  	s18 =	ssub.s32 s11, s18;
	s15 =	simm.s32 $0x2800;
	s16 =	sadd.s32 s12, s9  }
0x10: {  	s14 =	sshrl.u32 s14, $0x3;
	s17 =	sshrl.u32 s17, $0x3;
	s13 =	smax.u32 s18, $0x1  }
0x11: {  	s18 =	sshrl.u32 s20, $0x3;
	s20 =	simm.s32 $0x80;
	s14 =	sadd.s32 s14, s9  }
0x12: {  	s17 =	sadd.s32 s17, s9;
	s9 =	sadd.s32 s10, s12;
	s10 =	sadd.s32 $0x1C00, s16  }
0x13: {  	s16 =	sor.u32 $0x1C03, s31;
	s11 =	sadd.s32 $0x5D600, s14;
	s12 =	sadd.s32 $0x85600, s17  }
0x14: {  	s14 =	simm.s32 $0x3;
	s17 =	sshrl.u32 s19, $0x3;
	s19 =	simm.s32 $0x13000  }
.LBB2_1:
0x15: {  	[tilespmem:s4], [sflag:$0x3] =	stream.linear.gather [hbm4b:s9+s4], $0x2800, $0x38;
	[tilespmem:$0x14800] =	vst v63  }
0x16: {  	_ =	swait.ge [sflag:s14], $0x2800  }
0x17: {  	[sflag:s14] =	ssyncset.done $0x0  }
0x18: {  	[sflag:s14] =	ssyncadd.s32 $0xFFFFD800  }
0x19: {  	[tilespmem:s15], [sflag:$0x3] =	stream.linear.gather [hbm4b:s10+s4], $0x2800, $0x38;
	[tilespmem:$0x14800] =	vst v63  }
0x1a: {  	_ =	swait.ge [sflag:s14], $0x2800  }
0x1b: {  	[sflag:s14] =	ssyncset.done $0x0  }
0x1c: {  	[sflag:s14] =	ssyncadd.s32 $0xFFFFD800  }
0x1d: {  	[spmem:s17], [sflag:s16] =	dma.local [hbm:s6], $0x1400  }
0x1e: {  	_ =	swait.ge [sflag:s14], $0x1400  }
0x1f: {  	[sflag:s14] =	ssyncset.done $0x0  }
0x20: {  	[sflag:s14] =	ssyncadd.s32 $0xFFFFEC00  }
0x21: {  	[spmem:s18], [sflag:s16] =	dma.local [hbm:s7], $0x280  }
0x22: {  	_ =	swait.ge [sflag:s14], $0x280  }
0x23: {  	[sflag:s14] =	ssyncset.done $0x0  }
0x24: {  	[sflag:s14] =	ssyncadd.s32 $0xFFFFFD80  }
0x25: {  	[tilespmem:s19], [sflag:$0x3] =	stream.linear.gather [hbm4b:s8+s4], $0x400, $0x38;
	[tilespmem:$0x14800] =	vst v63  }
0x26: {  	_ =	swait.ge [sflag:s14], $0x400  }
0x27: {  	[sflag:s14] =	ssyncset.done $0x0  }
0x28: {  	[sflag:s14] =	ssyncadd.s32 $0xFFFFFC00  }
0x29: {  	[bflag:$0x0] =	sbarrier.arrive $0xFFFF  }
0x2a: {  	[tilespmem:s21], [sflag:$0x1] =	stream.indirect.gather [hbm4b:s5+s20], $0x40, s4, s20, $0xb8;
	[tilespmem:$0x14800] =	vst v63  }
0x2b: {  	_ = 	snop  }
0x2c: {  	[tilespmem:s22], [sflag:$0x2] =	stream.indirect.gather [hbm4b:s5+s20], $0x40, s20, s20, $0xb8;
	[tilespmem:$0x14800] =	vst v63  }
0x2d: {  	_ =	swait.ge [sflag:s23], $0x2000  }
0x2e: {  	[sflag:s23] =	ssyncset.done $0x0  }
0x2f: {  	s29 =	simm.s32 $0x2800;
	[sflag:s23] =	ssyncadd.s32 $0xFFFFE000  }
0x30: {  	[spmem:s2] =	stream.indirect.scatter.add.f32 [tilespmem:s21], [sflag:$0x3], $0x40, s29, s20, $0xb8;
	[tilespmem:$0x14800] =	vst v63  }
0x31: {  	_ =	swait.ge [sflag:s14], $0x2000  }
0x32: {  	[sflag:s14] =	ssyncset.done $0x0  }
0x33: {  	[sflag:s14] =	ssyncadd.s32 $0xFFFFE000  }
0x34: {  	[spmem:s3] =	stream.indirect.scatter.add.f32 [tilespmem:s19], [sflag:$0x3], $0x8, s29, s20, $0xb8;
	[tilespmem:$0x14800] =	vst v63  }
0x35: {  	_ =	swait.ge [sflag:s14], $0x400  }
0x36: {  	[sflag:s14] =	ssyncset.done $0x0  }
0x37: {  	s29 =	simm.s32 $0x100;
	[sflag:s14] =	ssyncadd.s32 $0xFFFFFC00  }
0x38: {  	[tilespmem:s21], [sflag:$0x1] =	stream.indirect.gather [hbm4b:s5+s20], $0x40, s29, s20, $0xb8;
	[tilespmem:$0x14800] =	vst v63  }
0x39: {  	_ =	swait.ge [sflag:s24], $0x2000  }
0x3a: {  	[sflag:s24] =	ssyncset.done $0x0  }
0x3b: {  	s29 =	simm.s32 $0x2880;
	[sflag:s24] =	ssyncadd.s32 $0xFFFFE000  }
0x3c: {  	[spmem:s2] =	stream.indirect.scatter.add.f32 [tilespmem:s22], [sflag:$0x3], $0x40, s29, s20, $0xb8;
	[tilespmem:$0x14800] =	vst v63  }
0x3d: {  	_ =	swait.ge [sflag:s14], $0x2000  }
0x3e: {  	[sflag:s14] =	ssyncset.done $0x0  }
0x3f: {  	[sflag:s14] =	ssyncadd.s32 $0xFFFFE000  }
0x40: {  	[spmem:s3] =	stream.indirect.scatter.add.f32 [tilespmem:s19], [sflag:$0x3], $0x8, s29, s20, $0xb8;
	[tilespmem:$0x14800] =	vst v63  }
0x41: {  	_ =	swait.ge [sflag:s14], $0x400  }
0x42: {  	[sflag:s14] =	ssyncset.done $0x0  }
0x43: {  	s30 =	simm.s32 $0x180;
	s29 =	simm.s32 $0x400;
	[sflag:s14] =	ssyncadd.s32 $0xFFFFFC00  }
.LBB2_2:
0x44: {  	[tilespmem:s22], [sflag:$0x2] =	stream.indirect.gather [hbm4b:s5+s20], $0x40, s30, s20, $0xb8;
	[tilespmem:$0x14800] =	vst v63  }
0x45: {  	s30 =	smov.u32 s29  }
0x46: {  	p0 =	sne.s32 s29, $0x9800;
	s29 =	sadd.s32 $0x400, s29;
	_ =	swait.ge [sflag:s23], $0x2000  }
0x47: {  	s30 =	sshra.s32 s30, $0x2;
	[sflag:s23] =	ssyncset.done $0x0  }
0x48: {  	s31 =	sadd.s32 $0x2800, s30;
	[sflag:s23] =	ssyncadd.s32 $0xFFFFE000  }
0x49: {  	[spmem:s2] =	stream.indirect.scatter.add.f32 [tilespmem:s21], [sflag:$0x3], $0x40, s31, s20, $0xb8;
	[tilespmem:$0x14800] =	vst v63  }
0x4a: {  	_ =	swait.ge [sflag:s14], $0x2000  }
0x4b: {  	[sflag:s14] =	ssyncset.done $0x0  }
0x4c: {  	[sflag:s14] =	ssyncadd.s32 $0xFFFFE000  }
0x4d: {  	[spmem:s3] =	stream.indirect.scatter.add.f32 [tilespmem:s19], [sflag:$0x3], $0x8, s31, s20, $0xb8;
	[tilespmem:$0x14800] =	vst v63  }
0x4e: {  	_ =	swait.ge [sflag:s14], $0x400  }
0x4f: {  	[sflag:s14] =	ssyncset.done $0x0  }
0x50: {  	s31 =	sadd.s32 $0x100, s30;
	[sflag:s14] =	ssyncadd.s32 $0xFFFFFC00  }
0x51: {  	[tilespmem:s21], [sflag:$0x1] =	stream.indirect.gather [hbm4b:s5+s20], $0x40, s31, s20, $0xb8;
	[tilespmem:$0x14800] =	vst v63  }
0x52: {  	_ =	swait.ge [sflag:s24], $0x2000  }
0x53: {  	[sflag:s24] =	ssyncset.done $0x0  }
0x54: {  	s31 =	sadd.s32 $0x2880, s30;
	[sflag:s24] =	ssyncadd.s32 $0xFFFFE000  }
0x55: {  	[spmem:s2] =	stream.indirect.scatter.add.f32 [tilespmem:s22], [sflag:$0x3], $0x40, s31, s20, $0xb8;
	[tilespmem:$0x14800] =	vst v63  }
0x56: {  	_ =	swait.ge [sflag:s14], $0x2000  }
0x57: {  	[sflag:s14] =	ssyncset.done $0x0  }
.Ltmp0:
0x58: {  	[sflag:s14] =	ssyncadd.s32 $0xFFFFE000;
	(pc) =	sbr.rel @p0 .LBB2_2-.Ltmp0, $4  }
0x59: {  	[spmem:s3] =	stream.indirect.scatter.add.f32 [tilespmem:s19], [sflag:$0x3], $0x8, s31, s20, $0xb8;
	[tilespmem:$0x14800] =	vst v63  }
0x5a: {  	_ =	swait.ge [sflag:s14], $0x400  }
0x5b: {  	[sflag:s14] =	ssyncset.done $0x0  }
0x5c: {  	s30 =	sadd.s32 $0x180, s30;
	[sflag:s14] =	ssyncadd.s32 $0xFFFFFC00  }
0x5d: {  	[tilespmem:s22], [sflag:$0x2] =	stream.indirect.gather [hbm4b:s5+s20], $0x40, s30, s20, $0xb8;
	[tilespmem:$0x14800] =	vst v63  }
0x5e: {  	_ =	swait.ge [sflag:s23], $0x2000  }
0x5f: {  	[sflag:s23] =	ssyncset.done $0x0  }
0x60: {  	[sflag:s23] =	ssyncadd.s32 $0xFFFFE000  }
0x61: {  	[spmem:s2] =	stream.indirect.scatter.add.f32 [tilespmem:s21], [sflag:$0x3], $0x40, s25, s20, $0xb8;
	[tilespmem:$0x14800] =	vst v63  }
0x62: {  	_ =	swait.ge [sflag:s14], $0x2000  }
0x63: {  	[sflag:s14] =	ssyncset.done $0x0  }
0x64: {  	[sflag:s14] =	ssyncadd.s32 $0xFFFFE000  }
0x65: {  	[spmem:s3] =	stream.indirect.scatter.add.f32 [tilespmem:s19], [sflag:$0x3], $0x8, s25, s20, $0xb8;
	[tilespmem:$0x14800] =	vst v63  }
0x66: {  	_ =	swait.ge [sflag:s14], $0x400  }
0x67: {  	[sflag:s14] =	ssyncset.done $0x0  }
0x68: {  	[sflag:s14] =	ssyncadd.s32 $0xFFFFFC00  }
0x69: {  	_ =	swait.ge [sflag:s24], $0x2000  }
0x6a: {  	[sflag:s24] =	ssyncset.done $0x0  }
0x6b: {  	[sflag:s24] =	ssyncadd.s32 $0xFFFFE000  }
0x6c: {  	[spmem:s2] =	stream.indirect.scatter.add.f32 [tilespmem:s22], [sflag:$0x3], $0x40, s26, s20, $0xb8;
	[tilespmem:$0x14800] =	vst v63  }
0x6d: {  	_ =	swait.ge [sflag:s14], $0x2000  }
0x6e: {  	[sflag:s14] =	ssyncset.done $0x0  }
0x6f: {  	[sflag:s14] =	ssyncadd.s32 $0xFFFFE000  }
0x70: {  	[spmem:s3] =	stream.indirect.scatter.add.f32 [tilespmem:s19], [sflag:$0x3], $0x8, s26, s20, $0xb8;
	[tilespmem:$0x14800] =	vst v63  }
0x71: {  	_ =	swait.ge [sflag:s14], $0x400  }
0x72: {  	[sflag:s14] =	ssyncset.done $0x0  }
0x73: {  	[sflag:s14] =	ssyncadd.s32 $0xFFFFFC00  }
0x74: {  	[bflag:$0x0] =	sbarrier.arrive $0xFFFF  }
0x75: {  	[hbm:s11], [sflag:s16] =	dma.local [spmem:s17], $0x1400  }
0x76: {  	s28 =	sadd.s32 $0x1, s28;
	_ =	swait.ge [sflag:s14], $0x1400  }
0x77: {  	p0 =	sne.s32 s28, s13;
	[sflag:s14] =	ssyncset.done $0x0  }
.Ltmp1:
0x78: {  	[sflag:s14] =	ssyncadd.s32 $0xFFFFEC00;
	(pc) =	sbr.rel @p0 .LBB2_1-.Ltmp1, $4  }
0x79: {  	[hbm:s12], [sflag:s16] =	dma.local [spmem:s18], $0x280  }
0x7a: {  	_ =	swait.ge [sflag:s14], $0x280  }
0x7b: {  	[sflag:s14] =	ssyncset.done $0x0  }
0x7c: {  	[sflag:s14] =	ssyncadd.s32 $0xFFFFFD80  }
0x7d: {  	_ =	sfence.sel $0x180000  }
0x7e: {  	[bflag:$0x0] =	sbarrier.arrive $0xFFFF  }
0x7f: {  	p0 =	sne.s32 s0, $0x0;
	_ =	strace $0x9000004A  }
0x80: {  	s0 =	sadd.s32 @!p0 $0x100000, s1;
	[bflag:$0x2] =	sbarrier.arrive $0xFFFF  }
0x81: {  	[sflag:s0] =	ssyncadd.tile.s32 @!p0 $0x1;
	_ =	shalt  }
.Lfunc_end2:
_tile_overlayer_lowered:
.L_overlay_start_2:
0x82: {  	(tag) =	ssettag $0x2  }
0x83: {  	s0 =	rddreg [dreg:$0x0];
	s2 =	stileid.u32  }
0x84: {  	s1 =	rddreg [dreg:$0x1];
	p0 =	sne.s32 s2, $0x0  }
0x85: {  	s3 =	rddreg [dreg:$0x2];
	[bflag:$0x3] =	sbarrier.arrive $0xFFFF;
	s2 =	simm.s32 @!p0 $0x1C03  }
0x86: {  	[timem:s3], [sflag:s2] =	dma.local @!p0 [hbm:s0], s1  }
0x87: {  	s0 =	simm.s32 @!p0 $0x3  }
0x88: {  	_ =	swait.ge @!p0 [sflag:s0], s1  }
0x89: {  	s1 =	ssub.s32 @!p0 $0x0, s1;
	[sflag:s0] =	ssyncset.done @!p0 $0x0  }
0x8a: {  	[sflag:s0] =	ssyncadd.s32 @!p0 s1  }
0x8b: {  	[bflag:$0x3] =	sbarrier.arrive $0xFFFF  }
0x8c: {  	_ =	shalt  }

// kernel: sc_segsum_d64.8.cloned.1.call-start
scs
__scs_entry_jumppad:
0x0: {  	(pc) =	sbr.rel $0x88, $3  }
0x1: {  	(tag) =	ssettag $0x0;
	lr =	simm.s32 $0x1  }
0x2: {  	[smem:$0x3F99] =	sst lr;
	_ =	strace $0xD0000000  }
0x3: {  	_ = 	snop  }
0x4: {  	_ = 	snop  }
0x5: {  	_ = 	snop  }
0x6: {  	_ = 	snop  }
0x7: {  	_ = 	snop  }
__scs_overlays_trampoline_lowered:
0x8: {  	[smem:$0x3FA8] =	sst s0  }
0x9: {  	[smem:$0x3FA9] =	sst s1  }
0xa: {  	[smem:$0x3FAA] =	sst s2  }
0xb: {  	[smem:$0x3FAB] =	sst s3  }
0xc: {  	[smem:$0x3FAC] =	sst s4  }
0xd: {  	[smem:$0x3FAD] =	sst s5  }
0xe: {  	[smem:$0x3FAE] =	sst s6  }
0xf: {  	[smem:$0x3FAF] =	sst s7  }
0x10: {  	[smem:$0x3FB0] =	sst s8  }
0x11: {  	[smem:$0x3FB1] =	sst s9;
	s0 =	simm.s32 @!p0 $0x0  }
0x12: {  	s1 =	sld [smem:$0x3F97];
	s0 =	simm.s32 @p0 $0x1  }
0x13: {  	[smem:$0x3FB2] =	sst s0;
	s0 =	simm.s32 @!p1 $0x0  }
0x14: {  	s2 =	sld [smem:$0x3F96];
	s0 =	simm.s32 @p1 $0x1  }
0x15: {  	[smem:$0x3FB3] =	sst s0;
	s0 =	simm.s32 @!p2 $0x0  }
0x16: {  	s3 =	sld [smem:$0x3FDB];
	s0 =	simm.s32 @p2 $0x1  }
0x17: {  	s4 =	simm.s32 $0x1BF5;
	[smem:$0x3FB5] =	sst s0  }
0x18: {  	s0 =	sld [smem:$0x3F98];
	_ =	swait.ge [sflag:s4], $0x0  }
0x19: {  	s7 =	sld [smem:$0x3F99]  }
0x1a: {  	s8 =	sadd.s32 $0xFFFFE003, lr  }
0x1b: {  	s9 =	sadd.s32 $0xFFFFFEF7, lr;
	s5 =	simm.s32 $0xFFFFFFFF;
	p2 =	slt.u32 s8, $0xFFFFF086  }
0x1c: {  	p1 =	slt.u32 s9, $0xF7A;
	s5 =	simm.s32 @!p2 $0x0  }
0x1d: {  	s5 =	simm.s32 @p1 $0x1;
	p0 =	seq.s32 s7, s2  }
0x1e: {  	s7 =	smul.u32 @!p0 $0xF7A, s2;
	p2 =	seq.s32 @!p0 s5, $0x0  }
0x1f: {  	s9 =	smul.u32 $0xF7A, s1;
	s8 =	simm.s32 @!p0 $0x1BF5;
	p2 =	por !p2, p0  }
0x20: {  	[sflag:s8] =	ssyncset.s32 @!p0 $0xFFFFF086;
	s6 =	sadd.s32 @!p0 s3, s7;
	s7 =	simm.s32 @!p0 $0x108  }
0x21: {  	s3 =	sadd.s32 s3, s9;
	s6 =	sadd.s32 @!p0 $0x88, s6;
	s7 =	simm.s32 @p2 $0x1082  }
0x22: {  	[simem:s7], [sflag:s8] =	dma.local @!p0 [hbm:s6], $0xF7A  }
0x23: {  	s9 =	sor.u32 $0xD0000000, s2;
	s6 =	simm.s32 $0x108;
	_ =	swait.ge @!p0 [sflag:s8], $0x0  }
0x24: {  	s3 =	sadd.s32 $0x88, s3;
	s6 =	simm.s32 @!p1 $0x1082;
	[sflag:s4] =	ssyncset.s32 $0xFFFFF086  }
0x25: {  	[simem:s6], [sflag:s4] =	dma.local [hbm:s3], $0xF7A  }
0x26: {  	[smem:$0x3F99] =	sst s1;
	(tag) =	ssettag s2;
	_ =	strace s9  }
0x27: {  	s1 =	sld [smem:$0x3FA9]  }
0x28: {  	s2 =	sld [smem:$0x3FAA]  }
0x29: {  	s4 =	sld [smem:$0x3FAC]  }
0x2a: {  	p0 =	seq.s32 s5, $0x0;
	s5 =	sld [smem:$0x3FAD]  }
0x2b: {  	s6 =	sld [smem:$0x3FAE]  }
0x2c: {  	s7 =	sld [smem:$0x3FAF]  }
0x2d: {  	s3 =	simm.s32 $0x108;
	s8 =	sld [smem:$0x3FB0]  }
0x2e: {  	s3 =	simm.s32 @!p0 $0x1082;
	s9 =	sld [smem:$0x3FB1]  }
0x2f: {  	lr =	sadd.s32 s0, s3;
	s0 =	sld [smem:$0x3FA8]  }
0x30: {  	s3 =	sld [smem:$0x3FAB]  }
0x31: {  	[smem:$0x3FB4] =	sst s10  }
0x32: {  	s10 =	sld [smem:$0x3FB2];
	_ =	sdelay $0x3  }
0x33: {  	p0 =	seq.s32 s10, $0x1;
	s10 =	sld [smem:$0x3FB4];
	_ =	sdelay $0x3  }
0x34: {  	[smem:$0x3FB4] =	sst s10  }
0x35: {  	s10 =	sld [smem:$0x3FB3];
	_ =	sdelay $0x3  }
0x36: {  	p1 =	seq.s32 s10, $0x1;
	s10 =	sld [smem:$0x3FB4];
	_ =	sdelay $0x3  }
0x37: {  	[smem:$0x3FB4] =	sst s10  }
0x38: {  	s10 =	sld [smem:$0x3FB5]  }
0x39: {  	_ = 	snop;
	(pc) =	sbr.ind lr, $3  }
0x3a: {  	_ = 	snop  }
0x3b: {  	_ = 	snop  }
0x3c: {  	p2 =	seq.s32 s10, $0x1;
	s10 =	sld [smem:$0x3FB4]  }
0x3d: {  	_ =	shalt  }
0x3e: {  	_ =	shalt  }
0x3f: {  	_ =	shalt  }
0x40: {  	_ =	shalt  }
0x41: {  	_ =	shalt  }
0x42: {  	_ =	shalt  }
0x43: {  	_ =	shalt  }
0x44: {  	_ =	shalt  }
0x45: {  	_ =	shalt  }
0x46: {  	_ =	shalt  }
0x47: {  	_ =	shalt  }
0x48: {  	_ =	shalt  }
0x49: {  	_ =	shalt  }
0x4a: {  	_ =	shalt  }
0x4b: {  	_ =	shalt  }
0x4c: {  	_ =	shalt  }
0x4d: {  	_ =	shalt  }
0x4e: {  	_ =	shalt  }
0x4f: {  	_ =	shalt  }
0x50: {  	_ =	shalt  }
0x51: {  	_ =	shalt  }
0x52: {  	_ =	shalt  }
0x53: {  	_ =	shalt  }
0x54: {  	_ =	shalt  }
0x55: {  	_ =	shalt  }
0x56: {  	_ =	shalt  }
0x57: {  	_ =	shalt  }
0x58: {  	_ =	shalt  }
0x59: {  	_ =	shalt  }
0x5a: {  	_ =	shalt  }
0x5b: {  	_ =	shalt  }
0x5c: {  	_ =	shalt  }
0x5d: {  	_ =	shalt  }
0x5e: {  	_ =	shalt  }
0x5f: {  	_ =	shalt  }
0x60: {  	_ =	shalt  }
0x61: {  	_ =	shalt  }
0x62: {  	_ =	shalt  }
0x63: {  	_ =	shalt  }
0x64: {  	_ =	shalt  }
0x65: {  	_ =	shalt  }
0x66: {  	_ =	shalt  }
0x67: {  	_ =	shalt  }
0x68: {  	_ =	shalt  }
0x69: {  	_ =	shalt  }
0x6a: {  	_ =	shalt  }
0x6b: {  	_ =	shalt  }
0x6c: {  	_ =	shalt  }
0x6d: {  	_ =	shalt  }
0x6e: {  	_ =	shalt  }
0x6f: {  	_ =	shalt  }
0x70: {  	_ =	shalt  }
0x71: {  	_ =	shalt  }
0x72: {  	_ =	shalt  }
0x73: {  	_ =	shalt  }
0x74: {  	_ =	shalt  }
0x75: {  	_ =	shalt  }
0x76: {  	_ =	shalt  }
0x77: {  	_ =	shalt  }
0x78: {  	_ =	shalt  }
0x79: {  	_ =	shalt  }
0x7a: {  	_ =	shalt  }
0x7b: {  	_ =	shalt  }
0x7c: {  	_ =	shalt  }
0x7d: {  	_ =	shalt  }
0x7e: {  	_ =	shalt  }
0x7f: {  	_ =	shalt  }
0x80: {  	_ =	shalt  }
0x81: {  	_ =	shalt  }
0x82: {  	_ =	shalt  }
0x83: {  	_ =	shalt  }
0x84: {  	_ =	shalt  }
0x85: {  	_ =	shalt  }
0x86: {  	_ =	shalt  }
0x87: {  	_ =	shalt  }
.Lfunc_end0:
.L_simem_size_0:
called_computation.1_lowered:
.L_overlay_start_0:
0x88: {  	s2 =	sld [smem:$0x3FD9]  }
0x89: {  	s3 =	sld [smem:$0x3FFE];
	_ =	sdelay $0x1  }
0x8a: {  	s1 =	srdreg.scid  }
0x8b: {  	s0 =	sand.u32 $0x1, s1  }
0x8c: {  	s17 =	sshll.u32 s0, $0xA;
	s2 =	sadd.s32 s3, s2  }
0x8d: {  	s2 =	sadd.s32 s2, s17  }
0x8e: {  	[smem:$0x3FC0] =	sst s2  }
0x8f: {  	_ = 	snop  }
0x90: {  	s2 =	sld [smem:$0x3FD0];
	(tm) =	ssettm $0x1  }
0x91: {  	s18 =	sld [smem:$0x3FFB];
	_ =	sdelay $0x3  }
0x92: {  	_ =	strace s18  }
0x93: {  	s3 =	sld [smem:$0x3FFC];
	_ =	sdelay $0x3  }
0x94: {  	_ =	strace s3  }
0x95: {  	s3 =	sld [smem:$0x3FFD];
	_ =	sdelay $0x3  }
0x96: {  	_ =	strace s3  }
0x97: {  	_ =	strace $0x8FFFFFFF  }
0x98: {  	s19 =	sld [smem:$0x3FDB];
	_ =	sdelay $0x1  }
0x99: {  	s4 =	simm.s32 $_scs_section_size  }
0x9a: {  	s5 =	simm.s32 $_size__tile_overlayer_lowered;
	s6 =	simm.s32 $_tile_overlayer_lowered  }
0x9b: {  	s22 =	simm.s32 $0x1BFF;
	s21 =	sshll.u32 s6, $0x1;
	s3 =	sadd.s32 s4, s19  }
0x9c: {  	s7 =	simm.s32 $0x0;
	s20 =	sshll.u32 s5, $0x1;
	s5 =	sadd.s32 s21, s3  }
0x9d: {  	[timem:s7], [sflag:s22] =	dma.local [hbm:s5], s20  }
0x9e: {  	_ =	swait.ge [sflag:s22], s20  }
0x9f: {  	s4 =	ssub.s32 $0x0, s20;
	[sflag:s22] =	ssyncset.done $0x0  }
0xa0: {  	[sflag:s22] =	ssyncadd.s32 s4;
	_ =	sdelay $0x1  }
0xa1: {  	s23 =	simm.s32 $0x1B8B  }
0xa2: {  	_ =	swait.ge [sflag:s23], $0x1  }
0xa3: {  	[sflag:s23] =	ssyncset.done $0x0  }
0xa4: {  	s25 =	simm.s32 $0x1B8E;
	s24 =	sld [smem:$0x3FFE];
	[sflag:s23] =	ssyncadd.s32 $0xFFFFFFFF  }
0xa5: {  	s26 =	simm.s32 $execute0_lowered;
	[smem:$0x3FD2] =	sst s25  }
0xa6: {  	s5 =	sshll.u32 s26, $0x1;
	_ =	strace $0x80000046;
	[dreg:$0x1] =	wrdreg $0xFFFFFFFF  }
0xa7: {  	s28 =	simm.s32 $_size_execute0_lowered;
	s3 =	sadd.s32 s3, s5;
	[dreg:$0x0] =	wrdreg $0x0  }
0xa8: {  	s5 =	sshll.u32 s28, $0x1;
	[dreg:$0x2] =	wrdreg s3  }
0xa9: {  	[dreg:$0x3] =	wrdreg s5  }
0xaa: {  	[dreg:$0x4] =	wrdreg $0xC0  }
0xab: {  	_ =	task [dreg:s7], $0x5FFFF  }
0xac: {  	[dreg:$0x1] =	wrdreg $0xFFFFFFFF  }
0xad: {  	[dreg:$0x0] =	wrdreg $0x60  }
0xae: {  	[dreg:$0x2] =	wrdreg s24  }
0xaf: {  	[dreg:$0x3] =	wrdreg s2  }
0xb0: {  	[dreg:$0x4] =	wrdreg $0x90000  }
0xb1: {  	[dreg:$0x5] =	wrdreg $0xA  }
0xb2: {  	_ =	task.clear_ibuf [dreg:s7], $0x6FFFF;
	_ =	strace $0x90000046  }
0xb3: {  	s29 =	simm.s32 $0xA;
	_ =	strace $0x80000048  }
0xb4: {  	_ =	swait.ge [sflag:s29], $0x1  }
0xb5: {  	[sflag:s29] =	ssyncadd.s32 $0xFFFFFFFF  }
0xb6: {  	_ =	strace $0x90000048  }
0xb7: {  	_ =	sfence  }
0xb8: {  	s30 =	sld [smem:$0x0];
	_ =	sdelay $0x2  }
0xb9: {  	s31 =	sshll.u32 s1, $0xD;
	s1 =	sshrl.u32 s1, $0x2  }
0xba: {  	s3 =	sand.u32 $0x4000, s31;
	s1 =	sadd.s32 s1, s30  }
0xbb: {  	s0 =	sor.u32 s3, s0;
	s1 =	sshll.u32 s1, $0x11  }
0xbc: {  	s0 =	sor.u32 s1, s0  }
0xbd: {  	s0 =	sadd.s32 $0x8F2B, s0  }
0xbe: {  	[sflag:s0] =	ssyncadd.remote.s32 $0x1  }
0xbf: {  	_ =	sfence.sel $0xFFFF  }
0xc0: {  	[dreg:$0x0] =	wrdreg $0xFFFFFFFF;
	(pc) =	sbr.abs _section_cstart, $3  }
0xc1: {  	[dreg:$0x1] =	wrdreg $0xFFFFFFFF  }
0xc2: {  	_ =	task.clear_ibuf [dreg:s7], $0x2FFFF;
	_ =	strace $0x9FFFFFFF  }
0xc3: {  	(tm) =	ssettm $0x7FFFFFFF  }
tec
execute0_lowered:
.L_overlay_start_1:
0x0: {  	(tag) =	ssettag $0x1  }
0x1: {  	s6 =	rddreg [dreg:$0x0]  }
0x2: {  	s7 =	rddreg [dreg:$0x1]  }
0x3: {  	s2 =	rddreg [dreg:$0x2]  }
0x4: {  	s0 =	rddreg [dreg:$0x3];
	s3 =	simm.s32 $0x0;
	s4 =	srdreg.scid  }
0x5: {  	s1 =	stileid.u32;
	s14 =	simm.s32 $0x80;
	s15 =	simm.s32 $0x5000  }
0x6: {  	s16 =	simm.s32 $0x7000;
	s17 =	simm.s32 $0x1;
	s18 =	simm.s32 $0x2  }
0x7: {  	s19 =	simm.s32 $0x4F00;
	s20 =	simm.s32 $0x4F80;
	s21 =	simm.s32 $0x0  }
0x8: {  	s5 =	sand.u32 $0x1, s4;
	s29 =	sshll.u32 s1, $0x1;
	s8 =	smul.u32 $0xA000, s1  }
0x9: {  	[smem:$0x7FF] =	sst s3;
	s31 =	sshll.u32 s1, $0x6;
	s4 =	sor.u32 s5, s29  }
0xa: {  	s9 =	smul.u32 $0xA0000, s5;
	_ =	strace $0x80000047;
	s11 =	ssub.s32 $0x2, s5  }
0xb: {  	s5 =	sadd.s32 $0x1FC00, s6;
	s10 =	smul.u32 $0x500, s4;
	s4 =	sadd.s32 $0xBC00, s6  }
0xc: {  	s13 =	sshrl.u32 s11, $0x1;
	s30 =	sadd.s32 s8, s2;
	s9 =	sadd.s32 s8, s9  }
0xd: {  	s11 =	ssub.s32 s11, s13;
	s13 =	sshrl.u32 s30, $0x3;
	s9 =	sshrl.u32 s9, $0x3  }
0xe: {  	s12 =	sadd.s32 s10, s6;
	s9 =	sadd.s32 s9, s6;
	s6 =	sadd.s32 s7, s10  }
0xf: {  	s7 =	sadd.s32 $0x1C00, s12;
	s10 =	simm.s32 $0x3;
	s12 =	sor.u32 $0x1C03, s31  }
0x10: {  	s8 =	sadd.s32 $0x21000, s9;
	s9 =	smax.u32 s11, $0x1;
	s11 =	simm.s32 $0x2800  }
.LBB2_1:
0x11: {  	[tilespmem:s3], [sflag:$0x3] =	stream.linear.gather [hbm4b:s6+s3], $0x2800, $0x38;
	[tilespmem:$0x13000] =	vst v63  }
0x12: {  	_ =	swait.ge [sflag:s10], $0x2800  }
0x13: {  	[sflag:s10] =	ssyncset.done $0x0  }
0x14: {  	[sflag:s10] =	ssyncadd.s32 $0xFFFFD800  }
0x15: {  	[tilespmem:s11], [sflag:$0x3] =	stream.linear.gather [hbm4b:s7+s3], $0x2800, $0x38;
	[tilespmem:$0x13000] =	vst v63  }
0x16: {  	_ =	swait.ge [sflag:s10], $0x2800  }
0x17: {  	[sflag:s10] =	ssyncset.done $0x0  }
0x18: {  	[sflag:s10] =	ssyncadd.s32 $0xFFFFD800  }
0x19: {  	[spmem:s13], [sflag:s12] =	dma.local [hbm:s5], $0x1400  }
0x1a: {  	_ =	swait.ge [sflag:s10], $0x1400  }
0x1b: {  	[sflag:s10] =	ssyncset.done $0x0  }
0x1c: {  	[sflag:s10] =	ssyncadd.s32 $0xFFFFEC00  }
0x1d: {  	[bflag:$0x0] =	sbarrier.arrive $0xFFFF  }
0x1e: {  	[tilespmem:s15], [sflag:$0x1] =	stream.indirect.gather [hbm4b:s4+s14], $0x40, s3, s14, $0xb8;
	[tilespmem:$0x13000] =	vst v63  }
0x1f: {  	_ = 	snop  }
0x20: {  	[tilespmem:s16], [sflag:$0x2] =	stream.indirect.gather [hbm4b:s4+s14], $0x40, s14, s14, $0xb8;
	[tilespmem:$0x13000] =	vst v63  }
0x21: {  	_ =	swait.ge [sflag:s17], $0x2000  }
0x22: {  	[sflag:s17] =	ssyncset.done $0x0  }
0x23: {  	s22 =	simm.s32 $0x2800;
	[sflag:s17] =	ssyncadd.s32 $0xFFFFE000  }
0x24: {  	[spmem:s2] =	stream.indirect.scatter.add.f32 [tilespmem:s15], [sflag:$0x3], $0x40, s22, s14, $0xb8;
	[tilespmem:$0x13000] =	vst v63  }
0x25: {  	_ =	swait.ge [sflag:s10], $0x2000  }
0x26: {  	[sflag:s10] =	ssyncset.done $0x0  }
0x27: {  	s30 =	simm.s32 $0x100;
	[sflag:s10] =	ssyncadd.s32 $0xFFFFE000  }
0x28: {  	[tilespmem:s15], [sflag:$0x1] =	stream.indirect.gather [hbm4b:s4+s14], $0x40, s30, s14, $0xb8;
	[tilespmem:$0x13000] =	vst v63  }
0x29: {  	_ =	swait.ge [sflag:s18], $0x2000  }
0x2a: {  	[sflag:s18] =	ssyncset.done $0x0  }
0x2b: {  	s31 =	simm.s32 $0x2880;
	[sflag:s18] =	ssyncadd.s32 $0xFFFFE000  }
0x2c: {  	[spmem:s2] =	stream.indirect.scatter.add.f32 [tilespmem:s16], [sflag:$0x3], $0x40, s31, s14, $0xb8;
	[tilespmem:$0x13000] =	vst v63  }
0x2d: {  	_ =	swait.ge [sflag:s10], $0x2000  }
0x2e: {  	[sflag:s10] =	ssyncset.done $0x0  }
0x2f: {  	s23 =	simm.s32 $0x180;
	s22 =	simm.s32 $0x400;
	[sflag:s10] =	ssyncadd.s32 $0xFFFFE000  }
.LBB2_2:
0x30: {  	[tilespmem:s16], [sflag:$0x2] =	stream.indirect.gather [hbm4b:s4+s14], $0x40, s23, s14, $0xb8;
	[tilespmem:$0x13000] =	vst v63  }
0x31: {  	s23 =	smov.u32 s22  }
0x32: {  	p0 =	sne.s32 s22, $0x9800;
	s22 =	sadd.s32 $0x400, s22;
	_ =	swait.ge [sflag:s17], $0x2000  }
0x33: {  	s23 =	sshra.s32 s23, $0x2;
	[sflag:s17] =	ssyncset.done $0x0  }
0x34: {  	s24 =	sadd.s32 $0x2800, s23;
	[sflag:s17] =	ssyncadd.s32 $0xFFFFE000  }
0x35: {  	[spmem:s2] =	stream.indirect.scatter.add.f32 [tilespmem:s15], [sflag:$0x3], $0x40, s24, s14, $0xb8;
	[tilespmem:$0x13000] =	vst v63  }
0x36: {  	_ =	swait.ge [sflag:s10], $0x2000  }
0x37: {  	[sflag:s10] =	ssyncset.done $0x0  }
0x38: {  	s24 =	sadd.s32 $0x100, s23;
	[sflag:s10] =	ssyncadd.s32 $0xFFFFE000  }
0x39: {  	[tilespmem:s15], [sflag:$0x1] =	stream.indirect.gather [hbm4b:s4+s14], $0x40, s24, s14, $0xb8;
	[tilespmem:$0x13000] =	vst v63  }
0x3a: {  	_ =	swait.ge [sflag:s18], $0x2000  }
0x3b: {  	[sflag:s18] =	ssyncset.done $0x0  }
.Ltmp0:
0x3c: {  	s24 =	sadd.s32 $0x2880, s23;
	[sflag:s18] =	ssyncadd.s32 $0xFFFFE000;
	(pc) =	sbr.rel @p0 .LBB2_2-.Ltmp0, $4  }
0x3d: {  	[spmem:s2] =	stream.indirect.scatter.add.f32 [tilespmem:s16], [sflag:$0x3], $0x40, s24, s14, $0xb8;
	[tilespmem:$0x13000] =	vst v63  }
0x3e: {  	_ =	swait.ge [sflag:s10], $0x2000  }
0x3f: {  	[sflag:s10] =	ssyncset.done $0x0  }
0x40: {  	s23 =	sadd.s32 $0x180, s23;
	[sflag:s10] =	ssyncadd.s32 $0xFFFFE000  }
0x41: {  	[tilespmem:s16], [sflag:$0x2] =	stream.indirect.gather [hbm4b:s4+s14], $0x40, s23, s14, $0xb8;
	[tilespmem:$0x13000] =	vst v63  }
0x42: {  	_ =	swait.ge [sflag:s17], $0x2000  }
0x43: {  	[sflag:s17] =	ssyncset.done $0x0  }
0x44: {  	[sflag:s17] =	ssyncadd.s32 $0xFFFFE000  }
0x45: {  	[spmem:s2] =	stream.indirect.scatter.add.f32 [tilespmem:s15], [sflag:$0x3], $0x40, s19, s14, $0xb8;
	[tilespmem:$0x13000] =	vst v63  }
0x46: {  	_ =	swait.ge [sflag:s10], $0x2000  }
0x47: {  	[sflag:s10] =	ssyncset.done $0x0  }
0x48: {  	[sflag:s10] =	ssyncadd.s32 $0xFFFFE000  }
0x49: {  	_ =	swait.ge [sflag:s18], $0x2000  }
0x4a: {  	[sflag:s18] =	ssyncset.done $0x0  }
0x4b: {  	[sflag:s18] =	ssyncadd.s32 $0xFFFFE000  }
0x4c: {  	[spmem:s2] =	stream.indirect.scatter.add.f32 [tilespmem:s16], [sflag:$0x3], $0x40, s20, s14, $0xb8;
	[tilespmem:$0x13000] =	vst v63  }
0x4d: {  	_ =	swait.ge [sflag:s10], $0x2000  }
0x4e: {  	s21 =	sadd.s32 $0x1, s21;
	[sflag:s10] =	ssyncset.done $0x0  }
0x4f: {  	p0 =	sne.s32 s21, s9;
	[sflag:s10] =	ssyncadd.s32 $0xFFFFE000  }
.Ltmp1:
0x50: {  	[bflag:$0x0] =	sbarrier.arrive $0xFFFF;
	(pc) =	sbr.rel @p0 .LBB2_1-.Ltmp1, $4  }
0x51: {  	[hbm:s8], [sflag:s12] =	dma.local [spmem:s13], $0x1400  }
0x52: {  	_ =	swait.ge [sflag:s10], $0x1400  }
0x53: {  	[sflag:s10] =	ssyncset.done $0x0  }
0x54: {  	[sflag:s10] =	ssyncadd.s32 $0xFFFFEC00  }
0x55: {  	_ =	sfence.sel $0x180000  }
0x56: {  	[bflag:$0x0] =	sbarrier.arrive $0xFFFF  }
0x57: {  	p0 =	sne.s32 s1, $0x0;
	_ =	strace $0x90000047  }
0x58: {  	s0 =	sadd.s32 @!p0 $0x100000, s0;
	[bflag:$0x2] =	sbarrier.arrive $0xFFFF  }
0x59: {  	[sflag:s0] =	ssyncadd.tile.s32 @!p0 $0x1;
	_ =	shalt  }
.Lfunc_end2:
_tile_overlayer_lowered:
.L_overlay_start_2:
0x5a: {  	(tag) =	ssettag $0x2  }
0x5b: {  	s0 =	rddreg [dreg:$0x0];
	s2 =	stileid.u32  }
0x5c: {  	s1 =	rddreg [dreg:$0x1];
	p0 =	sne.s32 s2, $0x0  }
0x5d: {  	s3 =	rddreg [dreg:$0x2];
	[bflag:$0x3] =	sbarrier.arrive $0xFFFF;
	s2 =	simm.s32 @!p0 $0x1C03  }
0x5e: {  	[timem:s3], [sflag:s2] =	dma.local @!p0 [hbm:s0], s1  }
0x5f: {  	s0 =	simm.s32 @!p0 $0x3  }
0x60: {  	_ =	swait.ge @!p0 [sflag:s0], s1  }
0x61: {  	s1 =	ssub.s32 @!p0 $0x0, s1;
	[sflag:s0] =	ssyncset.done @!p0 $0x0  }
0x62: {  	[sflag:s0] =	ssyncadd.s32 @!p0 s1  }
0x63: {  	[bflag:$0x3] =	sbarrier.arrive $0xFFFF  }
0x64: {  	_ =	shalt  }

</sc_bundles>
